<compile_context>
chip_gen: v7x
topology: tpu7x:2x2x1
jax: 0.10.2.dev20260603
libtpu: 0.0.44.dev20260713+nightly
codegen_flags: <defaults>
</compile_context>

<pallas_src>
import jax
import jax.numpy as jnp
from jax import lax
from jax.experimental import pallas as pl
from jax.experimental.pallas import tpu as pltpu
from jax.experimental.pallas import tpu_sc as plsc

D = 128
B = 16384
S = 5
NCOL = 2 + S

NC = 2
NSUB = 16
NW = NC * NSUB
ROWS_PER_W = B // NW
CHUNK = 128
NBLK = ROWS_PER_W // CHUNK
NHALF = 2
NUNIT = NCOL * NHALF
NBIG = 3


def _sg_body(idx_hbm, in_tab, out_tab, out_hbm, idx_bufs, big, i_sem, g_sem, w_sem):
    wid = lax.axis_index("s") * NC + lax.axis_index("c")
    wb = wid * ROWS_PER_W

    for b in range(NBLK):
        pltpu.async_copy(
            idx_hbm.at[:, pl.ds(wb + b * CHUNK, CHUNK)], idx_bufs[b], i_sem
        )
    idx_waited = 0

    def need_idx(upto):
        nonlocal idx_waited
        while idx_waited < upto:
            pltpu.make_async_copy(
                idx_hbm.at[:, pl.ds(wb, CHUNK)], idx_bufs[idx_waited], i_sem
            ).wait()
            idx_waited += 1

    def drain_gathers(p):
        pltpu.make_async_copy(
            out_tab.at[pl.ds(0, NHALF * CHUNK)], big[p], g_sem
        ).wait()

    def wait_write():
        pltpu.make_async_copy(
            big[0], out_hbm.at[0, pl.ds(wb, NHALF * CHUNK)], w_sem
        ).wait()

    prev = None
    for m in range(NUNIT):
        c, h, p = m // NHALF, m % NHALF, m % NBIG
        if m >= NBIG:
            wait_write()
        tab = in_tab if c == 0 else out_tab
        need_idx((h + 1) * NHALF)
        for j in range(NHALF):
            pltpu.async_copy(
                tab.at[idx_bufs[h * NHALF + j].at[c]],
                big[p].at[pl.ds(j * CHUNK, CHUNK)],
                g_sem,
            )
        if prev is not None:
            pc, ph = prev
            drain_gathers((m - 1) % NBIG)
            pltpu.async_copy(
                big[(m - 1) % NBIG],
                out_hbm.at[pc, pl.ds(wb + ph * NHALF * CHUNK, NHALF * CHUNK)],
                w_sem,
            )
        prev = (c, h)
    pc, ph = prev
    drain_gathers((NUNIT - 1) % NBIG)
    pltpu.async_copy(
        big[(NUNIT - 1) % NBIG],
        out_hbm.at[pc, pl.ds(wb + ph * NHALF * CHUNK, NHALF * CHUNK)],
        w_sem,
    )
    for _ in range(NBIG):
        wait_write()


def kernel(input_words, output_words, neg_samples, input_embed, output_embed):
    idx_all = jnp.concatenate(
        [input_words[None, :], output_words[None, :], neg_samples.T], axis=0
    ).astype(jnp.int32)
    mesh = plsc.VectorSubcoreMesh(core_axis_name="c", subcore_axis_name="s")
    f = pl.kernel(
        _sg_body,
        out_type=jax.ShapeDtypeStruct((NCOL, B, D), jnp.float32),
        mesh=mesh,
        scratch_types=[
            [pltpu.VMEM((NCOL, CHUNK), jnp.int32) for _ in range(NBLK)],
            [pltpu.VMEM((NHALF * CHUNK, D), jnp.float32) for _ in range(NBIG)],
            pltpu.SemaphoreType.DMA,
            pltpu.SemaphoreType.DMA,
            pltpu.SemaphoreType.DMA,
        ],
    )
    out = f(idx_all, input_embed, output_embed)
    return jnp.transpose(out, (1, 0, 2))

# --- scband reference (transcript-rebuilt; emitter-appended) ---
"""Pipeline reference for scband-skip-gram-ns-49624052138789 (READ-ONLY COPY).

The authoritative reference and input builder live on the scoring server;
editing this copy changes nothing except your own understanding.
"""

import jax, jax.numpy as jnp
import numpy as np

N_VOCAB = 100000
N_VECTOR = 128
BATCH = 16384
N_SAMPLES = 5


def setup_inputs(seed: int = 0) -> dict:
    key = jax.random.key(seed)
    k1, k2, k3, k4, k5 = jax.random.split(key, 5)
    input_words = jax.random.randint(k1, (BATCH,), 0, N_VOCAB)
    output_words = jax.random.randint(k2, (BATCH,), 0, N_VOCAB)
    neg_samples = jax.random.randint(k3, (BATCH, N_SAMPLES), 0, N_VOCAB)
    # nn.Embedding weights initialized uniform(-1, 1) per the module's __init__
    input_embed = jax.random.uniform(k4, (N_VOCAB, N_VECTOR), minval=-1.0, maxval=1.0, dtype=jnp.float32)
    output_embed = jax.random.uniform(k5, (N_VOCAB, N_VECTOR), minval=-1.0, maxval=1.0, dtype=jnp.float32)
    return {
        "input_words": input_words,
        "output_words": output_words,
        "neg_samples": neg_samples,
        "input_embed": input_embed,
        "output_embed": output_embed,
    }


def reference(input_words, output_words, neg_samples, input_embed, output_embed):
    # forward_input: gather from input embedding table
    input_embedded = jnp.take(input_embed, input_words, axis=0)  # [B, d]
    # forward_output: gather from output embedding table
    output_embedded = jnp.take(output_embed, output_words, axis=0)  # [B, d]
    # forward_negative: gather negative samples from output table and reshape
    b, s = neg_samples.shape
    negative_vectors = jnp.take(output_embed, neg_samples.reshape(-1), axis=0).reshape(b, s, N_VECTOR)  # [B, S, d]
    # Pack all three gathered results into a single array [B, 2+S, d]
    out = jnp.concatenate([input_embedded[:, None, :], output_embedded[:, None, :], negative_vectors], axis=1)
    return out

if __name__ == "__main__":
    import jax
    _d = setup_inputs()
    print(jax.jit(kernel)(*tuple(_d.values())))

</pallas_src>

<mosaic_0001>
#map = affine_map<(d0, d1) -> (0, 0)>
#map1 = affine_map<(d0, d1) -> (0, 0, 0)>
module attributes {stable_mosaic.version = 14 : i64} {
  func.func @_sg_body(%arg0: i32, %arg1: i32, %arg2: memref<7x16384xi32, #tpu.memory_space<hbm>>, %arg3: memref<100000x128xf32, #tpu.memory_space<hbm>>, %arg4: memref<100000x128xf32, #tpu.memory_space<hbm>>, %arg5: memref<7x16384x128xf32, #tpu.memory_space<hbm>>, %arg6: memref<7x128xi32, #tpu.memory_space<vmem>>, %arg7: memref<7x128xi32, #tpu.memory_space<vmem>>, %arg8: memref<7x128xi32, #tpu.memory_space<vmem>>, %arg9: memref<7x128xi32, #tpu.memory_space<vmem>>, %arg10: memref<256x128xf32, #tpu.memory_space<vmem>>, %arg11: memref<256x128xf32, #tpu.memory_space<vmem>>, %arg12: memref<256x128xf32, #tpu.memory_space<vmem>>, %arg13: memref<!tpu.dma_semaphore, #tpu.memory_space<semaphore_mem>>, %arg14: memref<!tpu.dma_semaphore, #tpu.memory_space<semaphore_mem>>, %arg15: memref<!tpu.dma_semaphore, #tpu.memory_space<semaphore_mem>>) attributes {dimension_semantics = [#tpu.dimension_semantics<core_parallel>, #tpu.dimension_semantics<subcore_parallel>], iteration_bounds = array<i64: 2, 16>, scalar_prefetch = 0 : i64, scratch_operands = 10 : i64, tpu.core_type = #tpu.core_type<sc_vector_subcore>, window_params = [{transform_indices = #map}, {transform_indices = #map}, {transform_indices = #map}, {transform_indices = #map1}]} {
    %mul3A = arith.constant 2 : i32
    %mul3A_0 = arith.muli %arg1, %mul3A : i32
    %add3A = arith.addi %mul3A_0, %arg0 : i32
    %mul3A_1 = arith.constant 512 : i32
    %mul3A_2 = arith.muli %add3A, %mul3A_1 : i32
    %add3A_3 = arith.constant 0 : i32
    %add3A_4 = arith.addi %mul3A_2, %add3A_3 : i32
    %dma_start3A = arith.constant 0 : i32
    %dma_start3A_5 = tpu.memref_slice %arg2[%dma_start3A, %add3A_4] : memref<7x16384xi32, #tpu.memory_space<hbm>> -> memref<7x128xi32, #tpu.memory_space<hbm>>
    %dma_start3A_6 = arith.constant 0 : i32
    %dma_start3A_7 = tpu.memref_slice %arg2[%dma_start3A_6, %add3A_4] : memref<7x16384xi32, #tpu.memory_space<hbm>> -> memref<7x128xi32, #tpu.memory_space<hbm>>
    tpu.enqueue_dma source(%dma_start3A_7 : memref<7x128xi32, #tpu.memory_space<hbm>>) target(%arg6 : memref<7x128xi32, #tpu.memory_space<vmem>>) target_semaphore(%arg13 : memref<!tpu.dma_semaphore, #tpu.memory_space<semaphore_mem>>)
    %add3A_8 = arith.constant 128 : i32
    %add3A_9 = arith.addi %mul3A_2, %add3A_8 : i32
    %dma_start3A_10 = arith.constant 0 : i32
    %dma_start3A_11 = tpu.memref_slice %arg2[%dma_start3A_10, %add3A_9] : memref<7x16384xi32, #tpu.memory_space<hbm>> -> memref<7x128xi32, #tpu.memory_space<hbm>>
    %dma_start3A_12 = arith.constant 0 : i32
    %dma_start3A_13 = tpu.memref_slice %arg2[%dma_start3A_12, %add3A_9] : memref<7x16384xi32, #tpu.memory_space<hbm>> -> memref<7x128xi32, #tpu.memory_space<hbm>>
    tpu.enqueue_dma source(%dma_start3A_13 : memref<7x128xi32, #tpu.memory_space<hbm>>) target(%arg7 : memref<7x128xi32, #tpu.memory_space<vmem>>) target_semaphore(%arg13 : memref<!tpu.dma_semaphore, #tpu.memory_space<semaphore_mem>>)
    %add3A_14 = arith.constant 256 : i32
    %add3A_15 = arith.addi %mul3A_2, %add3A_14 : i32
    %dma_start3A_16 = arith.constant 0 : i32
    %dma_start3A_17 = tpu.memref_slice %arg2[%dma_start3A_16, %add3A_15] : memref<7x16384xi32, #tpu.memory_space<hbm>> -> memref<7x128xi32, #tpu.memory_space<hbm>>
    %dma_start3A_18 = arith.constant 0 : i32
    %dma_start3A_19 = tpu.memref_slice %arg2[%dma_start3A_18, %add3A_15] : memref<7x16384xi32, #tpu.memory_space<hbm>> -> memref<7x128xi32, #tpu.memory_space<hbm>>
    tpu.enqueue_dma source(%dma_start3A_19 : memref<7x128xi32, #tpu.memory_space<hbm>>) target(%arg8 : memref<7x128xi32, #tpu.memory_space<vmem>>) target_semaphore(%arg13 : memref<!tpu.dma_semaphore, #tpu.memory_space<semaphore_mem>>)
    %add3A_20 = arith.constant 384 : i32
    %add3A_21 = arith.addi %mul3A_2, %add3A_20 : i32
    %dma_start3A_22 = arith.constant 0 : i32
    %dma_start3A_23 = tpu.memref_slice %arg2[%dma_start3A_22, %add3A_21] : memref<7x16384xi32, #tpu.memory_space<hbm>> -> memref<7x128xi32, #tpu.memory_space<hbm>>
    %dma_start3A_24 = arith.constant 0 : i32
    %dma_start3A_25 = tpu.memref_slice %arg2[%dma_start3A_24, %add3A_21] : memref<7x16384xi32, #tpu.memory_space<hbm>> -> memref<7x128xi32, #tpu.memory_space<hbm>>
    tpu.enqueue_dma source(%dma_start3A_25 : memref<7x128xi32, #tpu.memory_space<hbm>>) target(%arg9 : memref<7x128xi32, #tpu.memory_space<vmem>>) target_semaphore(%arg13 : memref<!tpu.dma_semaphore, #tpu.memory_space<semaphore_mem>>)
    %dma_wait3A = arith.constant 0 : i32
    %dma_wait3A_26 = tpu.memref_slice %arg2[%dma_wait3A, %mul3A_2] : memref<7x16384xi32, #tpu.memory_space<hbm>> -> memref<7x128xi32, #tpu.memory_space<hbm>>
    %dma_wait3A_27 = arith.constant 0 : i32
    %dma_wait3A_28 = tpu.memref_slice %arg2[%dma_wait3A_27, %mul3A_2] : memref<7x16384xi32, #tpu.memory_space<hbm>> -> memref<7x128xi32, #tpu.memory_space<hbm>>
    tpu.wait_dma2 semaphore(%arg13 : memref<!tpu.dma_semaphore, #tpu.memory_space<semaphore_mem>>) src(%dma_wait3A_28 : memref<7x128xi32, #tpu.memory_space<hbm>>) dst(%arg6 : memref<7x128xi32, #tpu.memory_space<vmem>>)
    %dma_wait3A_29 = arith.constant 0 : i32
    %dma_wait3A_30 = tpu.memref_slice %arg2[%dma_wait3A_29, %mul3A_2] : memref<7x16384xi32, #tpu.memory_space<hbm>> -> memref<7x128xi32, #tpu.memory_space<hbm>>
    %dma_wait3A_31 = arith.constant 0 : i32
    %dma_wait3A_32 = tpu.memref_slice %arg2[%dma_wait3A_31, %mul3A_2] : memref<7x16384xi32, #tpu.memory_space<hbm>> -> memref<7x128xi32, #tpu.memory_space<hbm>>
    tpu.wait_dma2 semaphore(%arg13 : memref<!tpu.dma_semaphore, #tpu.memory_space<semaphore_mem>>) src(%dma_wait3A_32 : memref<7x128xi32, #tpu.memory_space<hbm>>) dst(%arg7 : memref<7x128xi32, #tpu.memory_space<vmem>>)
    %dma_start3A_33 = arith.constant 0 : i32
    %dma_start3A_34 = arith.constant 0 : i32
    %dma_start3A_35 = arith.constant 0 : i32
    %dma_start3A_36 = tpu.memref_slice %arg10[%dma_start3A_34, %dma_start3A_35] : memref<256x128xf32, #tpu.memory_space<vmem>> -> memref<128x128xf32, #tpu.memory_space<vmem>>
    %dma_start3A_37 = arith.constant 0 : i32
    %dma_start3A_38 = tpu.memref_slice %arg6[%dma_start3A_33, %dma_start3A_37] : memref<7x128xi32, #tpu.memory_space<vmem>> -> memref<1x128xi32, #tpu.memory_space<vmem>>
    %dma_start3A_39 = tpu.memref_squeeze %dma_start3A_38 : memref<1x128xi32, #tpu.memory_space<vmem>> -> memref<128xi32, #tpu.memory_space<vmem>>
    %dma_start3A_40 = arith.constant 0 : i32
    %dma_start3A_41 = arith.constant 0 : i32
    %dma_start3A_42 = tpu.memref_slice %arg3[%dma_start3A_40, %dma_start3A_41] : memref<100000x128xf32, #tpu.memory_space<hbm>> -> memref<100000x128xf32, #tpu.memory_space<hbm>>
    tpu.enqueue_indirect_dma source(%dma_start3A_42 : memref<100000x128xf32, #tpu.memory_space<hbm>>) target(%dma_start3A_36 : memref<128x128xf32, #tpu.memory_space<vmem>>) offsets(%dma_start3A_39 : memref<128xi32, #tpu.memory_space<vmem>>) semaphore(%arg14 : memref<!tpu.dma_semaphore, #tpu.memory_space<semaphore_mem>>)
    %dma_start3A_43 = arith.constant 0 : i32
    %dma_start3A_44 = arith.constant 128 : i32
    %dma_start3A_45 = arith.constant 0 : i32
    %dma_start3A_46 = tpu.memref_slice %arg10[%dma_start3A_44, %dma_start3A_45] : memref<256x128xf32, #tpu.memory_space<vmem>> -> memref<128x128xf32, #tpu.memory_space<vmem>>
    %dma_start3A_47 = arith.constant 0 : i32
    %dma_start3A_48 = tpu.memref_slice %arg7[%dma_start3A_43, %dma_start3A_47] : memref<7x128xi32, #tpu.memory_space<vmem>> -> memref<1x128xi32, #tpu.memory_space<vmem>>
    %dma_start3A_49 = tpu.memref_squeeze %dma_start3A_48 : memref<1x128xi32, #tpu.memory_space<vmem>> -> memref<128xi32, #tpu.memory_space<vmem>>
    %dma_start3A_50 = arith.constant 0 : i32
    %dma_start3A_51 = arith.constant 0 : i32
    %dma_start3A_52 = tpu.memref_slice %arg3[%dma_start3A_50, %dma_start3A_51] : memref<100000x128xf32, #tpu.memory_space<hbm>> -> memref<100000x128xf32, #tpu.memory_space<hbm>>
    tpu.enqueue_indirect_dma source(%dma_start3A_52 : memref<100000x128xf32, #tpu.memory_space<hbm>>) target(%dma_start3A_46 : memref<128x128xf32, #tpu.memory_space<vmem>>) offsets(%dma_start3A_49 : memref<128xi32, #tpu.memory_space<vmem>>) semaphore(%arg14 : memref<!tpu.dma_semaphore, #tpu.memory_space<semaphore_mem>>)
    %dma_wait3A_53 = arith.constant 0 : i32
    %dma_wait3A_54 = tpu.memref_slice %arg2[%dma_wait3A_53, %mul3A_2] : memref<7x16384xi32, #tpu.memory_space<hbm>> -> memref<7x128xi32, #tpu.memory_space<hbm>>
    %dma_wait3A_55 = arith.constant 0 : i32
    %dma_wait3A_56 = tpu.memref_slice %arg2[%dma_wait3A_55, %mul3A_2] : memref<7x16384xi32, #tpu.memory_space<hbm>> -> memref<7x128xi32, #tpu.memory_space<hbm>>
    tpu.wait_dma2 semaphore(%arg13 : memref<!tpu.dma_semaphore, #tpu.memory_space<semaphore_mem>>) src(%dma_wait3A_56 : memref<7x128xi32, #tpu.memory_space<hbm>>) dst(%arg8 : memref<7x128xi32, #tpu.memory_space<vmem>>)
    %dma_wait3A_57 = arith.constant 0 : i32
    %dma_wait3A_58 = tpu.memref_slice %arg2[%dma_wait3A_57, %mul3A_2] : memref<7x16384xi32, #tpu.memory_space<hbm>> -> memref<7x128xi32, #tpu.memory_space<hbm>>
    %dma_wait3A_59 = arith.constant 0 : i32
    %dma_wait3A_60 = tpu.memref_slice %arg2[%dma_wait3A_59, %mul3A_2] : memref<7x16384xi32, #tpu.memory_space<hbm>> -> memref<7x128xi32, #tpu.memory_space<hbm>>
    tpu.wait_dma2 semaphore(%arg13 : memref<!tpu.dma_semaphore, #tpu.memory_space<semaphore_mem>>) src(%dma_wait3A_60 : memref<7x128xi32, #tpu.memory_space<hbm>>) dst(%arg9 : memref<7x128xi32, #tpu.memory_space<vmem>>)
    %dma_start3A_61 = arith.constant 0 : i32
    %dma_start3A_62 = arith.constant 0 : i32
    %dma_start3A_63 = arith.constant 0 : i32
    %dma_start3A_64 = tpu.memref_slice %arg11[%dma_start3A_62, %dma_start3A_63] : memref<256x128xf32, #tpu.memory_space<vmem>> -> memref<128x128xf32, #tpu.memory_space<vmem>>
    %dma_start3A_65 = arith.constant 0 : i32
    %dma_start3A_66 = tpu.memref_slice %arg8[%dma_start3A_61, %dma_start3A_65] : memref<7x128xi32, #tpu.memory_space<vmem>> -> memref<1x128xi32, #tpu.memory_space<vmem>>
    %dma_start3A_67 = tpu.memref_squeeze %dma_start3A_66 : memref<1x128xi32, #tpu.memory_space<vmem>> -> memref<128xi32, #tpu.memory_space<vmem>>
    %dma_start3A_68 = arith.constant 0 : i32
    %dma_start3A_69 = arith.constant 0 : i32
    %dma_start3A_70 = tpu.memref_slice %arg3[%dma_start3A_68, %dma_start3A_69] : memref<100000x128xf32, #tpu.memory_space<hbm>> -> memref<100000x128xf32, #tpu.memory_space<hbm>>
    tpu.enqueue_indirect_dma source(%dma_start3A_70 : memref<100000x128xf32, #tpu.memory_space<hbm>>) target(%dma_start3A_64 : memref<128x128xf32, #tpu.memory_space<vmem>>) offsets(%dma_start3A_67 : memref<128xi32, #tpu.memory_space<vmem>>) semaphore(%arg14 : memref<!tpu.dma_semaphore, #tpu.memory_space<semaphore_mem>>)
    %dma_start3A_71 = arith.constant 0 : i32
    %dma_start3A_72 = arith.constant 128 : i32
    %dma_start3A_73 = arith.constant 0 : i32
    %dma_start3A_74 = tpu.memref_slice %arg11[%dma_start3A_72, %dma_start3A_73] : memref<256x128xf32, #tpu.memory_space<vmem>> -> memref<128x128xf32, #tpu.memory_space<vmem>>
    %dma_start3A_75 = arith.constant 0 : i32
    %dma_start3A_76 = tpu.memref_slice %arg9[%dma_start3A_71, %dma_start3A_75] : memref<7x128xi32, #tpu.memory_space<vmem>> -> memref<1x128xi32, #tpu.memory_space<vmem>>
    %dma_start3A_77 = tpu.memref_squeeze %dma_start3A_76 : memref<1x128xi32, #tpu.memory_space<vmem>> -> memref<128xi32, #tpu.memory_space<vmem>>
    %dma_start3A_78 = arith.constant 0 : i32
    %dma_start3A_79 = arith.constant 0 : i32
    %dma_start3A_80 = tpu.memref_slice %arg3[%dma_start3A_78, %dma_start3A_79] : memref<100000x128xf32, #tpu.memory_space<hbm>> -> memref<100000x128xf32, #tpu.memory_space<hbm>>
    tpu.enqueue_indirect_dma source(%dma_start3A_80 : memref<100000x128xf32, #tpu.memory_space<hbm>>) target(%dma_start3A_74 : memref<128x128xf32, #tpu.memory_space<vmem>>) offsets(%dma_start3A_77 : memref<128xi32, #tpu.memory_space<vmem>>) semaphore(%arg14 : memref<!tpu.dma_semaphore, #tpu.memory_space<semaphore_mem>>)
    %dma_wait3A_81 = arith.constant 0 : i32
    %dma_wait3A_82 = arith.constant 0 : i32
    %dma_wait3A_83 = tpu.memref_slice %arg4[%dma_wait3A_81, %dma_wait3A_82] : memref<100000x128xf32, #tpu.memory_space<hbm>> -> memref<256x128xf32, #tpu.memory_space<hbm>>
    %dma_wait3A_84 = arith.constant 0 : i32
    %dma_wait3A_85 = arith.constant 0 : i32
    %dma_wait3A_86 = tpu.memref_slice %arg4[%dma_wait3A_84, %dma_wait3A_85] : memref<100000x128xf32, #tpu.memory_space<hbm>> -> memref<256x128xf32, #tpu.memory_space<hbm>>
    tpu.wait_dma2 semaphore(%arg14 : memref<!tpu.dma_semaphore, #tpu.memory_space<semaphore_mem>>) src(%dma_wait3A_86 : memref<256x128xf32, #tpu.memory_space<hbm>>) dst(%arg10 : memref<256x128xf32, #tpu.memory_space<vmem>>)
    %add3A_87 = arith.constant 0 : i32
    %add3A_88 = arith.addi %mul3A_2, %add3A_87 : i32
    %dma_start3A_89 = arith.constant 0 : i32
    %dma_start3A_90 = arith.constant 0 : i32
    %dma_start3A_91 = tpu.memref_slice %arg5[%dma_start3A_89, %add3A_88, %dma_start3A_90] : memref<7x16384x128xf32, #tpu.memory_space<hbm>> -> memref<1x256x128xf32, #tpu.memory_space<hbm>>
    %dma_start3A_92 = tpu.memref_squeeze %dma_start3A_91 : memref<1x256x128xf32, #tpu.memory_space<hbm>> -> memref<256x128xf32, #tpu.memory_space<hbm>>
    %dma_start3A_93 = arith.constant 0 : i32
    %dma_start3A_94 = tpu.memref_slice %arg5[%dma_start3A_89, %add3A_88, %dma_start3A_93] : memref<7x16384x128xf32, #tpu.memory_space<hbm>> -> memref<1x256x128xf32, #tpu.memory_space<hbm>>
    %dma_start3A_95 = tpu.memref_squeeze %dma_start3A_94 : memref<1x256x128xf32, #tpu.memory_space<hbm>> -> memref<256x128xf32, #tpu.memory_space<hbm>>
    tpu.enqueue_dma source(%arg10 : memref<256x128xf32, #tpu.memory_space<vmem>>) target(%dma_start3A_95 : memref<256x128xf32, #tpu.memory_space<hbm>>) target_semaphore(%arg15 : memref<!tpu.dma_semaphore, #tpu.memory_space<semaphore_mem>>)
    %dma_start3A_96 = arith.constant 1 : i32
    %dma_start3A_97 = arith.constant 0 : i32
    %dma_start3A_98 = arith.constant 0 : i32
    %dma_start3A_99 = tpu.memref_slice %arg12[%dma_start3A_97, %dma_start3A_98] : memref<256x128xf32, #tpu.memory_space<vmem>> -> memref<128x128xf32, #tpu.memory_space<vmem>>
    %dma_start3A_100 = arith.constant 0 : i32
    %dma_start3A_101 = tpu.memref_slice %arg6[%dma_start3A_96, %dma_start3A_100] : memref<7x128xi32, #tpu.memory_space<vmem>> -> memref<1x128xi32, #tpu.memory_space<vmem>>
    %dma_start3A_102 = tpu.memref_squeeze %dma_start3A_101 : memref<1x128xi32, #tpu.memory_space<vmem>> -> memref<128xi32, #tpu.memory_space<vmem>>
    %dma_start3A_103 = arith.constant 0 : i32
    %dma_start3A_104 = arith.constant 0 : i32
    %dma_start3A_105 = tpu.memref_slice %arg4[%dma_start3A_103, %dma_start3A_104] : memref<100000x128xf32, #tpu.memory_space<hbm>> -> memref<100000x128xf32, #tpu.memory_space<hbm>>
    tpu.enqueue_indirect_dma source(%dma_start3A_105 : memref<100000x128xf32, #tpu.memory_space<hbm>>) target(%dma_start3A_99 : memref<128x128xf32, #tpu.memory_space<vmem>>) offsets(%dma_start3A_102 : memref<128xi32, #tpu.memory_space<vmem>>) semaphore(%arg14 : memref<!tpu.dma_semaphore, #tpu.memory_space<semaphore_mem>>)
    %dma_start3A_106 = arith.constant 1 : i32
    %dma_start3A_107 = arith.constant 128 : i32
    %dma_start3A_108 = arith.constant 0 : i32
    %dma_start3A_109 = tpu.memref_slice %arg12[%dma_start3A_107, %dma_start3A_108] : memref<256x128xf32, #tpu.memory_space<vmem>> -> memref<128x128xf32, #tpu.memory_space<vmem>>
    %dma_start3A_110 = arith.constant 0 : i32
    %dma_start3A_111 = tpu.memref_slice %arg7[%dma_start3A_106, %dma_start3A_110] : memref<7x128xi32, #tpu.memory_space<vmem>> -> memref<1x128xi32, #tpu.memory_space<vmem>>
    %dma_start3A_112 = tpu.memref_squeeze %dma_start3A_111 : memref<1x128xi32, #tpu.memory_space<vmem>> -> memref<128xi32, #tpu.memory_space<vmem>>
    %dma_start3A_113 = arith.constant 0 : i32
    %dma_start3A_114 = arith.constant 0 : i32
    %dma_start3A_115 = tpu.memref_slice %arg4[%dma_start3A_113, %dma_start3A_114] : memref<100000x128xf32, #tpu.memory_space<hbm>> -> memref<100000x128xf32, #tpu.memory_space<hbm>>
    tpu.enqueue_indirect_dma source(%dma_start3A_115 : memref<100000x128xf32, #tpu.memory_space<hbm>>) target(%dma_start3A_109 : memref<128x128xf32, #tpu.memory_space<vmem>>) offsets(%dma_start3A_112 : memref<128xi32, #tpu.memory_space<vmem>>) semaphore(%arg14 : memref<!tpu.dma_semaphore, #tpu.memory_space<semaphore_mem>>)
    %dma_wait3A_116 = arith.constant 0 : i32
    %dma_wait3A_117 = arith.constant 0 : i32
    %dma_wait3A_118 = tpu.memref_slice %arg4[%dma_wait3A_116, %dma_wait3A_117] : memref<100000x128xf32, #tpu.memory_space<hbm>> -> memref<256x128xf32, #tpu.memory_space<hbm>>
    %dma_wait3A_119 = arith.constant 0 : i32
    %dma_wait3A_120 = arith.constant 0 : i32
    %dma_wait3A_121 = tpu.memref_slice %arg4[%dma_wait3A_119, %dma_wait3A_120] : memref<100000x128xf32, #tpu.memory_space<hbm>> -> memref<256x128xf32, #tpu.memory_space<hbm>>
    tpu.wait_dma2 semaphore(%arg14 : memref<!tpu.dma_semaphore, #tpu.memory_space<semaphore_mem>>) src(%dma_wait3A_121 : memref<256x128xf32, #tpu.memory_space<hbm>>) dst(%arg11 : memref<256x128xf32, #tpu.memory_space<vmem>>)
    %add3A_122 = arith.constant 256 : i32
    %add3A_123 = arith.addi %mul3A_2, %add3A_122 : i32
    %dma_start3A_124 = arith.constant 0 : i32
    %dma_start3A_125 = arith.constant 0 : i32
    %dma_start3A_126 = tpu.memref_slice %arg5[%dma_start3A_124, %add3A_123, %dma_start3A_125] : memref<7x16384x128xf32, #tpu.memory_space<hbm>> -> memref<1x256x128xf32, #tpu.memory_space<hbm>>
    %dma_start3A_127 = tpu.memref_squeeze %dma_start3A_126 : memref<1x256x128xf32, #tpu.memory_space<hbm>> -> memref<256x128xf32, #tpu.memory_space<hbm>>
    %dma_start3A_128 = arith.constant 0 : i32
    %dma_start3A_129 = tpu.memref_slice %arg5[%dma_start3A_124, %add3A_123, %dma_start3A_128] : memref<7x16384x128xf32, #tpu.memory_space<hbm>> -> memref<1x256x128xf32, #tpu.memory_space<hbm>>
    %dma_start3A_130 = tpu.memref_squeeze %dma_start3A_129 : memref<1x256x128xf32, #tpu.memory_space<hbm>> -> memref<256x128xf32, #tpu.memory_space<hbm>>
    tpu.enqueue_dma source(%arg11 : memref<256x128xf32, #tpu.memory_space<vmem>>) target(%dma_start3A_130 : memref<256x128xf32, #tpu.memory_space<hbm>>) target_semaphore(%arg15 : memref<!tpu.dma_semaphore, #tpu.memory_space<semaphore_mem>>)
    %dma_wait3A_131 = arith.constant 0 : i32
    %dma_wait3A_132 = arith.constant 0 : i32
    %dma_wait3A_133 = tpu.memref_slice %arg5[%dma_wait3A_131, %mul3A_2, %dma_wait3A_132] : memref<7x16384x128xf32, #tpu.memory_space<hbm>> -> memref<1x256x128xf32, #tpu.memory_space<hbm>>
    %dma_wait3A_134 = tpu.memref_squeeze %dma_wait3A_133 : memref<1x256x128xf32, #tpu.memory_space<hbm>> -> memref<256x128xf32, #tpu.memory_space<hbm>>
    %dma_wait3A_135 = arith.constant 0 : i32
    %dma_wait3A_136 = tpu.memref_slice %arg5[%dma_wait3A_131, %mul3A_2, %dma_wait3A_135] : memref<7x16384x128xf32, #tpu.memory_space<hbm>> -> memref<1x256x128xf32, #tpu.memory_space<hbm>>
    %dma_wait3A_137 = tpu.memref_squeeze %dma_wait3A_136 : memref<1x256x128xf32, #tpu.memory_space<hbm>> -> memref<256x128xf32, #tpu.memory_space<hbm>>
    tpu.wait_dma2 semaphore(%arg15 : memref<!tpu.dma_semaphore, #tpu.memory_space<semaphore_mem>>) src(%arg10 : memref<256x128xf32, #tpu.memory_space<vmem>>) dst(%dma_wait3A_137 : memref<256x128xf32, #tpu.memory_space<hbm>>)
    %dma_start3A_138 = arith.constant 1 : i32
    %dma_start3A_139 = arith.constant 0 : i32
    %dma_start3A_140 = arith.constant 0 : i32
    %dma_start3A_141 = tpu.memref_slice %arg10[%dma_start3A_139, %dma_start3A_140] : memref<256x128xf32, #tpu.memory_space<vmem>> -> memref<128x128xf32, #tpu.memory_space<vmem>>
    %dma_start3A_142 = arith.constant 0 : i32
    %dma_start3A_143 = tpu.memref_slice %arg8[%dma_start3A_138, %dma_start3A_142] : memref<7x128xi32, #tpu.memory_space<vmem>> -> memref<1x128xi32, #tpu.memory_space<vmem>>
    %dma_start3A_144 = tpu.memref_squeeze %dma_start3A_143 : memref<1x128xi32, #tpu.memory_space<vmem>> -> memref<128xi32, #tpu.memory_space<vmem>>
    %dma_start3A_145 = arith.constant 0 : i32
    %dma_start3A_146 = arith.constant 0 : i32
    %dma_start3A_147 = tpu.memref_slice %arg4[%dma_start3A_145, %dma_start3A_146] : memref<100000x128xf32, #tpu.memory_space<hbm>> -> memref<100000x128xf32, #tpu.memory_space<hbm>>
    tpu.enqueue_indirect_dma source(%dma_start3A_147 : memref<100000x128xf32, #tpu.memory_space<hbm>>) target(%dma_start3A_141 : memref<128x128xf32, #tpu.memory_space<vmem>>) offsets(%dma_start3A_144 : memref<128xi32, #tpu.memory_space<vmem>>) semaphore(%arg14 : memref<!tpu.dma_semaphore, #tpu.memory_space<semaphore_mem>>)
    %dma_start3A_148 = arith.constant 1 : i32
    %dma_start3A_149 = arith.constant 128 : i32
    %dma_start3A_150 = arith.constant 0 : i32
    %dma_start3A_151 = tpu.memref_slice %arg10[%dma_start3A_149, %dma_start3A_150] : memref<256x128xf32, #tpu.memory_space<vmem>> -> memref<128x128xf32, #tpu.memory_space<vmem>>
    %dma_start3A_152 = arith.constant 0 : i32
    %dma_start3A_153 = tpu.memref_slice %arg9[%dma_start3A_148, %dma_start3A_152] : memref<7x128xi32, #tpu.memory_space<vmem>> -> memref<1x128xi32, #tpu.memory_space<vmem>>
    %dma_start3A_154 = tpu.memref_squeeze %dma_start3A_153 : memref<1x128xi32, #tpu.memory_space<vmem>> -> memref<128xi32, #tpu.memory_space<vmem>>
    %dma_start3A_155 = arith.constant 0 : i32
    %dma_start3A_156 = arith.constant 0 : i32
    %dma_start3A_157 = tpu.memref_slice %arg4[%dma_start3A_155, %dma_start3A_156] : memref<100000x128xf32, #tpu.memory_space<hbm>> -> memref<100000x128xf32, #tpu.memory_space<hbm>>
    tpu.enqueue_indirect_dma source(%dma_start3A_157 : memref<100000x128xf32, #tpu.memory_space<hbm>>) target(%dma_start3A_151 : memref<128x128xf32, #tpu.memory_space<vmem>>) offsets(%dma_start3A_154 : memref<128xi32, #tpu.memory_space<vmem>>) semaphore(%arg14 : memref<!tpu.dma_semaphore, #tpu.memory_space<semaphore_mem>>)
    %dma_wait3A_158 = arith.constant 0 : i32
    %dma_wait3A_159 = arith.constant 0 : i32
    %dma_wait3A_160 = tpu.memref_slice %arg4[%dma_wait3A_158, %dma_wait3A_159] : memref<100000x128xf32, #tpu.memory_space<hbm>> -> memref<256x128xf32, #tpu.memory_space<hbm>>
    %dma_wait3A_161 = arith.constant 0 : i32
    %dma_wait3A_162 = arith.constant 0 : i32
    %dma_wait3A_163 = tpu.memref_slice %arg4[%dma_wait3A_161, %dma_wait3A_162] : memref<100000x128xf32, #tpu.memory_space<hbm>> -> memref<256x128xf32, #tpu.memory_space<hbm>>
    tpu.wait_dma2 semaphore(%arg14 : memref<!tpu.dma_semaphore, #tpu.memory_space<semaphore_mem>>) src(%dma_wait3A_163 : memref<256x128xf32, #tpu.memory_space<hbm>>) dst(%arg12 : memref<256x128xf32, #tpu.memory_space<vmem>>)
    %add3A_164 = arith.constant 0 : i32
    %add3A_165 = arith.addi %mul3A_2, %add3A_164 : i32
    %dma_start3A_166 = arith.constant 1 : i32
    %dma_start3A_167 = arith.constant 0 : i32
    %dma_start3A_168 = tpu.memref_slice %arg5[%dma_start3A_166, %add3A_165, %dma_start3A_167] : memref<7x16384x128xf32, #tpu.memory_space<hbm>> -> memref<1x256x128xf32, #tpu.memory_space<hbm>>
    %dma_start3A_169 = tpu.memref_squeeze %dma_start3A_168 : memref<1x256x128xf32, #tpu.memory_space<hbm>> -> memref<256x128xf32, #tpu.memory_space<hbm>>
    %dma_start3A_170 = arith.constant 0 : i32
    %dma_start3A_171 = tpu.memref_slice %arg5[%dma_start3A_166, %add3A_165, %dma_start3A_170] : memref<7x16384x128xf32, #tpu.memory_space<hbm>> -> memref<1x256x128xf32, #tpu.memory_space<hbm>>
    %dma_start3A_172 = tpu.memref_squeeze %dma_start3A_171 : memref<1x256x128xf32, #tpu.memory_space<hbm>> -> memref<256x128xf32, #tpu.memory_space<hbm>>
    tpu.enqueue_dma source(%arg12 : memref<256x128xf32, #tpu.memory_space<vmem>>) target(%dma_start3A_172 : memref<256x128xf32, #tpu.memory_space<hbm>>) target_semaphore(%arg15 : memref<!tpu.dma_semaphore, #tpu.memory_space<semaphore_mem>>)
    %dma_wait3A_173 = arith.constant 0 : i32
    %dma_wait3A_174 = arith.constant 0 : i32
    %dma_wait3A_175 = tpu.memref_slice %arg5[%dma_wait3A_173, %mul3A_2, %dma_wait3A_174] : memref<7x16384x128xf32, #tpu.memory_space<hbm>> -> memref<1x256x128xf32, #tpu.memory_space<hbm>>
    %dma_wait3A_176 = tpu.memref_squeeze %dma_wait3A_175 : memref<1x256x128xf32, #tpu.memory_space<hbm>> -> memref<256x128xf32, #tpu.memory_space<hbm>>
    %dma_wait3A_177 = arith.constant 0 : i32
    %dma_wait3A_178 = tpu.memref_slice %arg5[%dma_wait3A_173, %mul3A_2, %dma_wait3A_177] : memref<7x16384x128xf32, #tpu.memory_space<hbm>> -> memref<1x256x128xf32, #tpu.memory_space<hbm>>
    %dma_wait3A_179 = tpu.memref_squeeze %dma_wait3A_178 : memref<1x256x128xf32, #tpu.memory_space<hbm>> -> memref<256x128xf32, #tpu.memory_space<hbm>>
    tpu.wait_dma2 semaphore(%arg15 : memref<!tpu.dma_semaphore, #tpu.memory_space<semaphore_mem>>) src(%arg10 : memref<256x128xf32, #tpu.memory_space<vmem>>) dst(%dma_wait3A_179 : memref<256x128xf32, #tpu.memory_space<hbm>>)
    %dma_start3A_180 = arith.constant 2 : i32
    %dma_start3A_181 = arith.constant 0 : i32
    %dma_start3A_182 = arith.constant 0 : i32
    %dma_start3A_183 = tpu.memref_slice %arg11[%dma_start3A_181, %dma_start3A_182] : memref<256x128xf32, #tpu.memory_space<vmem>> -> memref<128x128xf32, #tpu.memory_space<vmem>>
    %dma_start3A_184 = arith.constant 0 : i32
    %dma_start3A_185 = tpu.memref_slice %arg6[%dma_start3A_180, %dma_start3A_184] : memref<7x128xi32, #tpu.memory_space<vmem>> -> memref<1x128xi32, #tpu.memory_space<vmem>>
    %dma_start3A_186 = tpu.memref_squeeze %dma_start3A_185 : memref<1x128xi32, #tpu.memory_space<vmem>> -> memref<128xi32, #tpu.memory_space<vmem>>
    %dma_start3A_187 = arith.constant 0 : i32
    %dma_start3A_188 = arith.constant 0 : i32
    %dma_start3A_189 = tpu.memref_slice %arg4[%dma_start3A_187, %dma_start3A_188] : memref<100000x128xf32, #tpu.memory_space<hbm>> -> memref<100000x128xf32, #tpu.memory_space<hbm>>
    tpu.enqueue_indirect_dma source(%dma_start3A_189 : memref<100000x128xf32, #tpu.memory_space<hbm>>) target(%dma_start3A_183 : memref<128x128xf32, #tpu.memory_space<vmem>>) offsets(%dma_start3A_186 : memref<128xi32, #tpu.memory_space<vmem>>) semaphore(%arg14 : memref<!tpu.dma_semaphore, #tpu.memory_space<semaphore_mem>>)
    %dma_start3A_190 = arith.constant 2 : i32
    %dma_start3A_191 = arith.constant 128 : i32
    %dma_start3A_192 = arith.constant 0 : i32
    %dma_start3A_193 = tpu.memref_slice %arg11[%dma_start3A_191, %dma_start3A_192] : memref<256x128xf32, #tpu.memory_space<vmem>> -> memref<128x128xf32, #tpu.memory_space<vmem>>
    %dma_start3A_194 = arith.constant 0 : i32
    %dma_start3A_195 = tpu.memref_slice %arg7[%dma_start3A_190, %dma_start3A_194] : memref<7x128xi32, #tpu.memory_space<vmem>> -> memref<1x128xi32, #tpu.memory_space<vmem>>
    %dma_start3A_196 = tpu.memref_squeeze %dma_start3A_195 : memref<1x128xi32, #tpu.memory_space<vmem>> -> memref<128xi32, #tpu.memory_space<vmem>>
    %dma_start3A_197 = arith.constant 0 : i32
    %dma_start3A_198 = arith.constant 0 : i32
    %dma_start3A_199 = tpu.memref_slice %arg4[%dma_start3A_197, %dma_start3A_198] : memref<100000x128xf32, #tpu.memory_space<hbm>> -> memref<100000x128xf32, #tpu.memory_space<hbm>>
    tpu.enqueue_indirect_dma source(%dma_start3A_199 : memref<100000x128xf32, #tpu.memory_space<hbm>>) target(%dma_start3A_193 : memref<128x128xf32, #tpu.memory_space<vmem>>) offsets(%dma_start3A_196 : memref<128xi32, #tpu.memory_space<vmem>>) semaphore(%arg14 : memref<!tpu.dma_semaphore, #tpu.memory_space<semaphore_mem>>)
    %dma_wait3A_200 = arith.constant 0 : i32
    %dma_wait3A_201 = arith.constant 0 : i32
    %dma_wait3A_202 = tpu.memref_slice %arg4[%dma_wait3A_200, %dma_wait3A_201] : memref<100000x128xf32, #tpu.memory_space<hbm>> -> memref<256x128xf32, #tpu.memory_space<hbm>>
    %dma_wait3A_203 = arith.constant 0 : i32
    %dma_wait3A_204 = arith.constant 0 : i32
    %dma_wait3A_205 = tpu.memref_slice %arg4[%dma_wait3A_203, %dma_wait3A_204] : memref<100000x128xf32, #tpu.memory_space<hbm>> -> memref<256x128xf32, #tpu.memory_space<hbm>>
    tpu.wait_dma2 semaphore(%arg14 : memref<!tpu.dma_semaphore, #tpu.memory_space<semaphore_mem>>) src(%dma_wait3A_205 : memref<256x128xf32, #tpu.memory_space<hbm>>) dst(%arg10 : memref<256x128xf32, #tpu.memory_space<vmem>>)
    %add3A_206 = arith.constant 256 : i32
    %add3A_207 = arith.addi %mul3A_2, %add3A_206 : i32
    %dma_start3A_208 = arith.constant 1 : i32
    %dma_start3A_209 = arith.constant 0 : i32
    %dma_start3A_210 = tpu.memref_slice %arg5[%dma_start3A_208, %add3A_207, %dma_start3A_209] : memref<7x16384x128xf32, #tpu.memory_space<hbm>> -> memref<1x256x128xf32, #tpu.memory_space<hbm>>
    %dma_start3A_211 = tpu.memref_squeeze %dma_start3A_210 : memref<1x256x128xf32, #tpu.memory_space<hbm>> -> memref<256x128xf32, #tpu.memory_space<hbm>>
    %dma_start3A_212 = arith.constant 0 : i32
    %dma_start3A_213 = tpu.memref_slice %arg5[%dma_start3A_208, %add3A_207, %dma_start3A_212] : memref<7x16384x128xf32, #tpu.memory_space<hbm>> -> memref<1x256x128xf32, #tpu.memory_space<hbm>>
    %dma_start3A_214 = tpu.memref_squeeze %dma_start3A_213 : memref<1x256x128xf32, #tpu.memory_space<hbm>> -> memref<256x128xf32, #tpu.memory_space<hbm>>
    tpu.enqueue_dma source(%arg10 : memref<256x128xf32, #tpu.memory_space<vmem>>) target(%dma_start3A_214 : memref<256x128xf32, #tpu.memory_space<hbm>>) target_semaphore(%arg15 : memref<!tpu.dma_semaphore, #tpu.memory_space<semaphore_mem>>)
    %dma_wait3A_215 = arith.constant 0 : i32
    %dma_wait3A_216 = arith.constant 0 : i32
    %dma_wait3A_217 = tpu.memref_slice %arg5[%dma_wait3A_215, %mul3A_2, %dma_wait3A_216] : memref<7x16384x128xf32, #tpu.memory_space<hbm>> -> memref<1x256x128xf32, #tpu.memory_space<hbm>>
    %dma_wait3A_218 = tpu.memref_squeeze %dma_wait3A_217 : memref<1x256x128xf32, #tpu.memory_space<hbm>> -> memref<256x128xf32, #tpu.memory_space<hbm>>
    %dma_wait3A_219 = arith.constant 0 : i32
    %dma_wait3A_220 = tpu.memref_slice %arg5[%dma_wait3A_215, %mul3A_2, %dma_wait3A_219] : memref<7x16384x128xf32, #tpu.memory_space<hbm>> -> memref<1x256x128xf32, #tpu.memory_space<hbm>>
    %dma_wait3A_221 = tpu.memref_squeeze %dma_wait3A_220 : memref<1x256x128xf32, #tpu.memory_space<hbm>> -> memref<256x128xf32, #tpu.memory_space<hbm>>
    tpu.wait_dma2 semaphore(%arg15 : memref<!tpu.dma_semaphore, #tpu.memory_space<semaphore_mem>>) src(%arg10 : memref<256x128xf32, #tpu.memory_space<vmem>>) dst(%dma_wait3A_221 : memref<256x128xf32, #tpu.memory_space<hbm>>)
    %dma_start3A_222 = arith.constant 2 : i32
    %dma_start3A_223 = arith.constant 0 : i32
    %dma_start3A_224 = arith.constant 0 : i32
    %dma_start3A_225 = tpu.memref_slice %arg12[%dma_start3A_223, %dma_start3A_224] : memref<256x128xf32, #tpu.memory_space<vmem>> -> memref<128x128xf32, #tpu.memory_space<vmem>>
    %dma_start3A_226 = arith.constant 0 : i32
    %dma_start3A_227 = tpu.memref_slice %arg8[%dma_start3A_222, %dma_start3A_226] : memref<7x128xi32, #tpu.memory_space<vmem>> -> memref<1x128xi32, #tpu.memory_space<vmem>>
    %dma_start3A_228 = tpu.memref_squeeze %dma_start3A_227 : memref<1x128xi32, #tpu.memory_space<vmem>> -> memref<128xi32, #tpu.memory_space<vmem>>
    %dma_start3A_229 = arith.constant 0 : i32
    %dma_start3A_230 = arith.constant 0 : i32
    %dma_start3A_231 = tpu.memref_slice %arg4[%dma_start3A_229, %dma_start3A_230] : memref<100000x128xf32, #tpu.memory_space<hbm>> -> memref<100000x128xf32, #tpu.memory_space<hbm>>
    tpu.enqueue_indirect_dma source(%dma_start3A_231 : memref<100000x128xf32, #tpu.memory_space<hbm>>) target(%dma_start3A_225 : memref<128x128xf32, #tpu.memory_space<vmem>>) offsets(%dma_start3A_228 : memref<128xi32, #tpu.memory_space<vmem>>) semaphore(%arg14 : memref<!tpu.dma_semaphore, #tpu.memory_space<semaphore_mem>>)
    %dma_start3A_232 = arith.constant 2 : i32
    %dma_start3A_233 = arith.constant 128 : i32
    %dma_start3A_234 = arith.constant 0 : i32
    %dma_start3A_235 = tpu.memref_slice %arg12[%dma_start3A_233, %dma_start3A_234] : memref<256x128xf32, #tpu.memory_space<vmem>> -> memref<128x128xf32, #tpu.memory_space<vmem>>
    %dma_start3A_236 = arith.constant 0 : i32
    %dma_start3A_237 = tpu.memref_slice %arg9[%dma_start3A_232, %dma_start3A_236] : memref<7x128xi32, #tpu.memory_space<vmem>> -> memref<1x128xi32, #tpu.memory_space<vmem>>
    %dma_start3A_238 = tpu.memref_squeeze %dma_start3A_237 : memref<1x128xi32, #tpu.memory_space<vmem>> -> memref<128xi32, #tpu.memory_space<vmem>>
    %dma_start3A_239 = arith.constant 0 : i32
    %dma_start3A_240 = arith.constant 0 : i32
    %dma_start3A_241 = tpu.memref_slice %arg4[%dma_start3A_239, %dma_start3A_240] : memref<100000x128xf32, #tpu.memory_space<hbm>> -> memref<100000x128xf32, #tpu.memory_space<hbm>>
    tpu.enqueue_indirect_dma source(%dma_start3A_241 : memref<100000x128xf32, #tpu.memory_space<hbm>>) target(%dma_start3A_235 : memref<128x128xf32, #tpu.memory_space<vmem>>) offsets(%dma_start3A_238 : memref<128xi32, #tpu.memory_space<vmem>>) semaphore(%arg14 : memref<!tpu.dma_semaphore, #tpu.memory_space<semaphore_mem>>)
    %dma_wait3A_242 = arith.constant 0 : i32
    %dma_wait3A_243 = arith.constant 0 : i32
    %dma_wait3A_244 = tpu.memref_slice %arg4[%dma_wait3A_242, %dma_wait3A_243] : memref<100000x128xf32, #tpu.memory_space<hbm>> -> memref<256x128xf32, #tpu.memory_space<hbm>>
    %dma_wait3A_245 = arith.constant 0 : i32
    %dma_wait3A_246 = arith.constant 0 : i32
    %dma_wait3A_247 = tpu.memref_slice %arg4[%dma_wait3A_245, %dma_wait3A_246] : memref<100000x128xf32, #tpu.memory_space<hbm>> -> memref<256x128xf32, #tpu.memory_space<hbm>>
    tpu.wait_dma2 semaphore(%arg14 : memref<!tpu.dma_semaphore, #tpu.memory_space<semaphore_mem>>) src(%dma_wait3A_247 : memref<256x128xf32, #tpu.memory_space<hbm>>) dst(%arg11 : memref<256x128xf32, #tpu.memory_space<vmem>>)
    %add3A_248 = arith.constant 0 : i32
    %add3A_249 = arith.addi %mul3A_2, %add3A_248 : i32
    %dma_start3A_250 = arith.constant 2 : i32
    %dma_start3A_251 = arith.constant 0 : i32
    %dma_start3A_252 = tpu.memref_slice %arg5[%dma_start3A_250, %add3A_249, %dma_start3A_251] : memref<7x16384x128xf32, #tpu.memory_space<hbm>> -> memref<1x256x128xf32, #tpu.memory_space<hbm>>
    %dma_start3A_253 = tpu.memref_squeeze %dma_start3A_252 : memref<1x256x128xf32, #tpu.memory_space<hbm>> -> memref<256x128xf32, #tpu.memory_space<hbm>>
    %dma_start3A_254 = arith.constant 0 : i32
    %dma_start3A_255 = tpu.memref_slice %arg5[%dma_start3A_250, %add3A_249, %dma_start3A_254] : memref<7x16384x128xf32, #tpu.memory_space<hbm>> -> memref<1x256x128xf32, #tpu.memory_space<hbm>>
    %dma_start3A_256 = tpu.memref_squeeze %dma_start3A_255 : memref<1x256x128xf32, #tpu.memory_space<hbm>> -> memref<256x128xf32, #tpu.memory_space<hbm>>
    tpu.enqueue_dma source(%arg11 : memref<256x128xf32, #tpu.memory_space<vmem>>) target(%dma_start3A_256 : memref<256x128xf32, #tpu.memory_space<hbm>>) target_semaphore(%arg15 : memref<!tpu.dma_semaphore, #tpu.memory_space<semaphore_mem>>)
    %dma_wait3A_257 = arith.constant 0 : i32
    %dma_wait3A_258 = arith.constant 0 : i32
    %dma_wait3A_259 = tpu.memref_slice %arg5[%dma_wait3A_257, %mul3A_2, %dma_wait3A_258] : memref<7x16384x128xf32, #tpu.memory_space<hbm>> -> memref<1x256x128xf32, #tpu.memory_space<hbm>>
    %dma_wait3A_260 = tpu.memref_squeeze %dma_wait3A_259 : memref<1x256x128xf32, #tpu.memory_space<hbm>> -> memref<256x128xf32, #tpu.memory_space<hbm>>
    %dma_wait3A_261 = arith.constant 0 : i32
    %dma_wait3A_262 = tpu.memref_slice %arg5[%dma_wait3A_257, %mul3A_2, %dma_wait3A_261] : memref<7x16384x128xf32, #tpu.memory_space<hbm>> -> memref<1x256x128xf32, #tpu.memory_space<hbm>>
    %dma_wait3A_263 = tpu.memref_squeeze %dma_wait3A_262 : memref<1x256x128xf32, #tpu.memory_space<hbm>> -> memref<256x128xf32, #tpu.memory_space<hbm>>
    tpu.wait_dma2 semaphore(%arg15 : memref<!tpu.dma_semaphore, #tpu.memory_space<semaphore_mem>>) src(%arg10 : memref<256x128xf32, #tpu.memory_space<vmem>>) dst(%dma_wait3A_263 : memref<256x128xf32, #tpu.memory_space<hbm>>)
    %dma_start3A_264 = arith.constant 3 : i32
    %dma_start3A_265 = arith.constant 0 : i32
    %dma_start3A_266 = arith.constant 0 : i32
    %dma_start3A_267 = tpu.memref_slice %arg10[%dma_start3A_265, %dma_start3A_266] : memref<256x128xf32, #tpu.memory_space<vmem>> -> memref<128x128xf32, #tpu.memory_space<vmem>>
    %dma_start3A_268 = arith.constant 0 : i32
    %dma_start3A_269 = tpu.memref_slice %arg6[%dma_start3A_264, %dma_start3A_268] : memref<7x128xi32, #tpu.memory_space<vmem>> -> memref<1x128xi32, #tpu.memory_space<vmem>>
    %dma_start3A_270 = tpu.memref_squeeze %dma_start3A_269 : memref<1x128xi32, #tpu.memory_space<vmem>> -> memref<128xi32, #tpu.memory_space<vmem>>
    %dma_start3A_271 = arith.constant 0 : i32
    %dma_start3A_272 = arith.constant 0 : i32
    %dma_start3A_273 = tpu.memref_slice %arg4[%dma_start3A_271, %dma_start3A_272] : memref<100000x128xf32, #tpu.memory_space<hbm>> -> memref<100000x128xf32, #tpu.memory_space<hbm>>
    tpu.enqueue_indirect_dma source(%dma_start3A_273 : memref<100000x128xf32, #tpu.memory_space<hbm>>) target(%dma_start3A_267 : memref<128x128xf32, #tpu.memory_space<vmem>>) offsets(%dma_start3A_270 : memref<128xi32, #tpu.memory_space<vmem>>) semaphore(%arg14 : memref<!tpu.dma_semaphore, #tpu.memory_space<semaphore_mem>>)
    %dma_start3A_274 = arith.constant 3 : i32
    %dma_start3A_275 = arith.constant 128 : i32
    %dma_start3A_276 = arith.constant 0 : i32
    %dma_start3A_277 = tpu.memref_slice %arg10[%dma_start3A_275, %dma_start3A_276] : memref<256x128xf32, #tpu.memory_space<vmem>> -> memref<128x128xf32, #tpu.memory_space<vmem>>
    %dma_start3A_278 = arith.constant 0 : i32
    %dma_start3A_279 = tpu.memref_slice %arg7[%dma_start3A_274, %dma_start3A_278] : memref<7x128xi32, #tpu.memory_space<vmem>> -> memref<1x128xi32, #tpu.memory_space<vmem>>
    %dma_start3A_280 = tpu.memref_squeeze %dma_start3A_279 : memref<1x128xi32, #tpu.memory_space<vmem>> -> memref<128xi32, #tpu.memory_space<vmem>>
    %dma_start3A_281 = arith.constant 0 : i32
    %dma_start3A_282 = arith.constant 0 : i32
    %dma_start3A_283 = tpu.memref_slice %arg4[%dma_start3A_281, %dma_start3A_282] : memref<100000x128xf32, #tpu.memory_space<hbm>> -> memref<100000x128xf32, #tpu.memory_space<hbm>>
    tpu.enqueue_indirect_dma source(%dma_start3A_283 : memref<100000x128xf32, #tpu.memory_space<hbm>>) target(%dma_start3A_277 : memref<128x128xf32, #tpu.memory_space<vmem>>) offsets(%dma_start3A_280 : memref<128xi32, #tpu.memory_space<vmem>>) semaphore(%arg14 : memref<!tpu.dma_semaphore, #tpu.memory_space<semaphore_mem>>)
    %dma_wait3A_284 = arith.constant 0 : i32
    %dma_wait3A_285 = arith.constant 0 : i32
    %dma_wait3A_286 = tpu.memref_slice %arg4[%dma_wait3A_284, %dma_wait3A_285] : memref<100000x128xf32, #tpu.memory_space<hbm>> -> memref<256x128xf32, #tpu.memory_space<hbm>>
    %dma_wait3A_287 = arith.constant 0 : i32
    %dma_wait3A_288 = arith.constant 0 : i32
    %dma_wait3A_289 = tpu.memref_slice %arg4[%dma_wait3A_287, %dma_wait3A_288] : memref<100000x128xf32, #tpu.memory_space<hbm>> -> memref<256x128xf32, #tpu.memory_space<hbm>>
    tpu.wait_dma2 semaphore(%arg14 : memref<!tpu.dma_semaphore, #tpu.memory_space<semaphore_mem>>) src(%dma_wait3A_289 : memref<256x128xf32, #tpu.memory_space<hbm>>) dst(%arg12 : memref<256x128xf32, #tpu.memory_space<vmem>>)
    %add3A_290 = arith.constant 256 : i32
    %add3A_291 = arith.addi %mul3A_2, %add3A_290 : i32
    %dma_start3A_292 = arith.constant 2 : i32
    %dma_start3A_293 = arith.constant 0 : i32
    %dma_start3A_294 = tpu.memref_slice %arg5[%dma_start3A_292, %add3A_291, %dma_start3A_293] : memref<7x16384x128xf32, #tpu.memory_space<hbm>> -> memref<1x256x128xf32, #tpu.memory_space<hbm>>
    %dma_start3A_295 = tpu.memref_squeeze %dma_start3A_294 : memref<1x256x128xf32, #tpu.memory_space<hbm>> -> memref<256x128xf32, #tpu.memory_space<hbm>>
    %dma_start3A_296 = arith.constant 0 : i32
    %dma_start3A_297 = tpu.memref_slice %arg5[%dma_start3A_292, %add3A_291, %dma_start3A_296] : memref<7x16384x128xf32, #tpu.memory_space<hbm>> -> memref<1x256x128xf32, #tpu.memory_space<hbm>>
    %dma_start3A_298 = tpu.memref_squeeze %dma_start3A_297 : memref<1x256x128xf32, #tpu.memory_space<hbm>> -> memref<256x128xf32, #tpu.memory_space<hbm>>
    tpu.enqueue_dma source(%arg12 : memref<256x128xf32, #tpu.memory_space<vmem>>) target(%dma_start3A_298 : memref<256x128xf32, #tpu.memory_space<hbm>>) target_semaphore(%arg15 : memref<!tpu.dma_semaphore, #tpu.memory_space<semaphore_mem>>)
    %dma_wait3A_299 = arith.constant 0 : i32
    %dma_wait3A_300 = arith.constant 0 : i32
    %dma_wait3A_301 = tpu.memref_slice %arg5[%dma_wait3A_299, %mul3A_2, %dma_wait3A_300] : memref<7x16384x128xf32, #tpu.memory_space<hbm>> -> memref<1x256x128xf32, #tpu.memory_space<hbm>>
    %dma_wait3A_302 = tpu.memref_squeeze %dma_wait3A_301 : memref<1x256x128xf32, #tpu.memory_space<hbm>> -> memref<256x128xf32, #tpu.memory_space<hbm>>
    %dma_wait3A_303 = arith.constant 0 : i32
    %dma_wait3A_304 = tpu.memref_slice %arg5[%dma_wait3A_299, %mul3A_2, %dma_wait3A_303] : memref<7x16384x128xf32, #tpu.memory_space<hbm>> -> memref<1x256x128xf32, #tpu.memory_space<hbm>>
    %dma_wait3A_305 = tpu.memref_squeeze %dma_wait3A_304 : memref<1x256x128xf32, #tpu.memory_space<hbm>> -> memref<256x128xf32, #tpu.memory_space<hbm>>
    tpu.wait_dma2 semaphore(%arg15 : memref<!tpu.dma_semaphore, #tpu.memory_space<semaphore_mem>>) src(%arg10 : memref<256x128xf32, #tpu.memory_space<vmem>>) dst(%dma_wait3A_305 : memref<256x128xf32, #tpu.memory_space<hbm>>)
    %dma_start3A_306 = arith.constant 3 : i32
    %dma_start3A_307 = arith.constant 0 : i32
    %dma_start3A_308 = arith.constant 0 : i32
    %dma_start3A_309 = tpu.memref_slice %arg11[%dma_start3A_307, %dma_start3A_308] : memref<256x128xf32, #tpu.memory_space<vmem>> -> memref<128x128xf32, #tpu.memory_space<vmem>>
    %dma_start3A_310 = arith.constant 0 : i32
    %dma_start3A_311 = tpu.memref_slice %arg8[%dma_start3A_306, %dma_start3A_310] : memref<7x128xi32, #tpu.memory_space<vmem>> -> memref<1x128xi32, #tpu.memory_space<vmem>>
    %dma_start3A_312 = tpu.memref_squeeze %dma_start3A_311 : memref<1x128xi32, #tpu.memory_space<vmem>> -> memref<128xi32, #tpu.memory_space<vmem>>
    %dma_start3A_313 = arith.constant 0 : i32
    %dma_start3A_314 = arith.constant 0 : i32
    %dma_start3A_315 = tpu.memref_slice %arg4[%dma_start3A_313, %dma_start3A_314] : memref<100000x128xf32, #tpu.memory_space<hbm>> -> memref<100000x128xf32, #tpu.memory_space<hbm>>
    tpu.enqueue_indirect_dma source(%dma_start3A_315 : memref<100000x128xf32, #tpu.memory_space<hbm>>) target(%dma_start3A_309 : memref<128x128xf32, #tpu.memory_space<vmem>>) offsets(%dma_start3A_312 : memref<128xi32, #tpu.memory_space<vmem>>) semaphore(%arg14 : memref<!tpu.dma_semaphore, #tpu.memory_space<semaphore_mem>>)
    %dma_start3A_316 = arith.constant 3 : i32
    %dma_start3A_317 = arith.constant 128 : i32
    %dma_start3A_318 = arith.constant 0 : i32
    %dma_start3A_319 = tpu.memref_slice %arg11[%dma_start3A_317, %dma_start3A_318] : memref<256x128xf32, #tpu.memory_space<vmem>> -> memref<128x128xf32, #tpu.memory_space<vmem>>
    %dma_start3A_320 = arith.constant 0 : i32
    %dma_start3A_321 = tpu.memref_slice %arg9[%dma_start3A_316, %dma_start3A_320] : memref<7x128xi32, #tpu.memory_space<vmem>> -> memref<1x128xi32, #tpu.memory_space<vmem>>
    %dma_start3A_322 = tpu.memref_squeeze %dma_start3A_321 : memref<1x128xi32, #tpu.memory_space<vmem>> -> memref<128xi32, #tpu.memory_space<vmem>>
    %dma_start3A_323 = arith.constant 0 : i32
    %dma_start3A_324 = arith.constant 0 : i32
    %dma_start3A_325 = tpu.memref_slice %arg4[%dma_start3A_323, %dma_start3A_324] : memref<100000x128xf32, #tpu.memory_space<hbm>> -> memref<100000x128xf32, #tpu.memory_space<hbm>>
    tpu.enqueue_indirect_dma source(%dma_start3A_325 : memref<100000x128xf32, #tpu.memory_space<hbm>>) target(%dma_start3A_319 : memref<128x128xf32, #tpu.memory_space<vmem>>) offsets(%dma_start3A_322 : memref<128xi32, #tpu.memory_space<vmem>>) semaphore(%arg14 : memref<!tpu.dma_semaphore, #tpu.memory_space<semaphore_mem>>)
    %dma_wait3A_326 = arith.constant 0 : i32
    %dma_wait3A_327 = arith.constant 0 : i32
    %dma_wait3A_328 = tpu.memref_slice %arg4[%dma_wait3A_326, %dma_wait3A_327] : memref<100000x128xf32, #tpu.memory_space<hbm>> -> memref<256x128xf32, #tpu.memory_space<hbm>>
    %dma_wait3A_329 = arith.constant 0 : i32
    %dma_wait3A_330 = arith.constant 0 : i32
    %dma_wait3A_331 = tpu.memref_slice %arg4[%dma_wait3A_329, %dma_wait3A_330] : memref<100000x128xf32, #tpu.memory_space<hbm>> -> memref<256x128xf32, #tpu.memory_space<hbm>>
    tpu.wait_dma2 semaphore(%arg14 : memref<!tpu.dma_semaphore, #tpu.memory_space<semaphore_mem>>) src(%dma_wait3A_331 : memref<256x128xf32, #tpu.memory_space<hbm>>) dst(%arg10 : memref<256x128xf32, #tpu.memory_space<vmem>>)
    %add3A_332 = arith.constant 0 : i32
    %add3A_333 = arith.addi %mul3A_2, %add3A_332 : i32
    %dma_start3A_334 = arith.constant 3 : i32
    %dma_start3A_335 = arith.constant 0 : i32
    %dma_start3A_336 = tpu.memref_slice %arg5[%dma_start3A_334, %add3A_333, %dma_start3A_335] : memref<7x16384x128xf32, #tpu.memory_space<hbm>> -> memref<1x256x128xf32, #tpu.memory_space<hbm>>
    %dma_start3A_337 = tpu.memref_squeeze %dma_start3A_336 : memref<1x256x128xf32, #tpu.memory_space<hbm>> -> memref<256x128xf32, #tpu.memory_space<hbm>>
    %dma_start3A_338 = arith.constant 0 : i32
    %dma_start3A_339 = tpu.memref_slice %arg5[%dma_start3A_334, %add3A_333, %dma_start3A_338] : memref<7x16384x128xf32, #tpu.memory_space<hbm>> -> memref<1x256x128xf32, #tpu.memory_space<hbm>>
    %dma_start3A_340 = tpu.memref_squeeze %dma_start3A_339 : memref<1x256x128xf32, #tpu.memory_space<hbm>> -> memref<256x128xf32, #tpu.memory_space<hbm>>
    tpu.enqueue_dma source(%arg10 : memref<256x128xf32, #tpu.memory_space<vmem>>) target(%dma_start3A_340 : memref<256x128xf32, #tpu.memory_space<hbm>>) target_semaphore(%arg15 : memref<!tpu.dma_semaphore, #tpu.memory_space<semaphore_mem>>)
    %dma_wait3A_341 = arith.constant 0 : i32
    %dma_wait3A_342 = arith.constant 0 : i32
    %dma_wait3A_343 = tpu.memref_slice %arg5[%dma_wait3A_341, %mul3A_2, %dma_wait3A_342] : memref<7x16384x128xf32, #tpu.memory_space<hbm>> -> memref<1x256x128xf32, #tpu.memory_space<hbm>>
    %dma_wait3A_344 = tpu.memref_squeeze %dma_wait3A_343 : memref<1x256x128xf32, #tpu.memory_space<hbm>> -> memref<256x128xf32, #tpu.memory_space<hbm>>
    %dma_wait3A_345 = arith.constant 0 : i32
    %dma_wait3A_346 = tpu.memref_slice %arg5[%dma_wait3A_341, %mul3A_2, %dma_wait3A_345] : memref<7x16384x128xf32, #tpu.memory_space<hbm>> -> memref<1x256x128xf32, #tpu.memory_space<hbm>>
    %dma_wait3A_347 = tpu.memref_squeeze %dma_wait3A_346 : memref<1x256x128xf32, #tpu.memory_space<hbm>> -> memref<256x128xf32, #tpu.memory_space<hbm>>
    tpu.wait_dma2 semaphore(%arg15 : memref<!tpu.dma_semaphore, #tpu.memory_space<semaphore_mem>>) src(%arg10 : memref<256x128xf32, #tpu.memory_space<vmem>>) dst(%dma_wait3A_347 : memref<256x128xf32, #tpu.memory_space<hbm>>)
    %dma_start3A_348 = arith.constant 4 : i32
    %dma_start3A_349 = arith.constant 0 : i32
    %dma_start3A_350 = arith.constant 0 : i32
    %dma_start3A_351 = tpu.memref_slice %arg12[%dma_start3A_349, %dma_start3A_350] : memref<256x128xf32, #tpu.memory_space<vmem>> -> memref<128x128xf32, #tpu.memory_space<vmem>>
    %dma_start3A_352 = arith.constant 0 : i32
    %dma_start3A_353 = tpu.memref_slice %arg6[%dma_start3A_348, %dma_start3A_352] : memref<7x128xi32, #tpu.memory_space<vmem>> -> memref<1x128xi32, #tpu.memory_space<vmem>>
    %dma_start3A_354 = tpu.memref_squeeze %dma_start3A_353 : memref<1x128xi32, #tpu.memory_space<vmem>> -> memref<128xi32, #tpu.memory_space<vmem>>
    %dma_start3A_355 = arith.constant 0 : i32
    %dma_start3A_356 = arith.constant 0 : i32
    %dma_start3A_357 = tpu.memref_slice %arg4[%dma_start3A_355, %dma_start3A_356] : memref<100000x128xf32, #tpu.memory_space<hbm>> -> memref<100000x128xf32, #tpu.memory_space<hbm>>
    tpu.enqueue_indirect_dma source(%dma_start3A_357 : memref<100000x128xf32, #tpu.memory_space<hbm>>) target(%dma_start3A_351 : memref<128x128xf32, #tpu.memory_space<vmem>>) offsets(%dma_start3A_354 : memref<128xi32, #tpu.memory_space<vmem>>) semaphore(%arg14 : memref<!tpu.dma_semaphore, #tpu.memory_space<semaphore_mem>>)
    %dma_start3A_358 = arith.constant 4 : i32
    %dma_start3A_359 = arith.constant 128 : i32
    %dma_start3A_360 = arith.constant 0 : i32
    %dma_start3A_361 = tpu.memref_slice %arg12[%dma_start3A_359, %dma_start3A_360] : memref<256x128xf32, #tpu.memory_space<vmem>> -> memref<128x128xf32, #tpu.memory_space<vmem>>
    %dma_start3A_362 = arith.constant 0 : i32
    %dma_start3A_363 = tpu.memref_slice %arg7[%dma_start3A_358, %dma_start3A_362] : memref<7x128xi32, #tpu.memory_space<vmem>> -> memref<1x128xi32, #tpu.memory_space<vmem>>
    %dma_start3A_364 = tpu.memref_squeeze %dma_start3A_363 : memref<1x128xi32, #tpu.memory_space<vmem>> -> memref<128xi32, #tpu.memory_space<vmem>>
    %dma_start3A_365 = arith.constant 0 : i32
    %dma_start3A_366 = arith.constant 0 : i32
    %dma_start3A_367 = tpu.memref_slice %arg4[%dma_start3A_365, %dma_start3A_366] : memref<100000x128xf32, #tpu.memory_space<hbm>> -> memref<100000x128xf32, #tpu.memory_space<hbm>>
    tpu.enqueue_indirect_dma source(%dma_start3A_367 : memref<100000x128xf32, #tpu.memory_space<hbm>>) target(%dma_start3A_361 : memref<128x128xf32, #tpu.memory_space<vmem>>) offsets(%dma_start3A_364 : memref<128xi32, #tpu.memory_space<vmem>>) semaphore(%arg14 : memref<!tpu.dma_semaphore, #tpu.memory_space<semaphore_mem>>)
    %dma_wait3A_368 = arith.constant 0 : i32
    %dma_wait3A_369 = arith.constant 0 : i32
    %dma_wait3A_370 = tpu.memref_slice %arg4[%dma_wait3A_368, %dma_wait3A_369] : memref<100000x128xf32, #tpu.memory_space<hbm>> -> memref<256x128xf32, #tpu.memory_space<hbm>>
    %dma_wait3A_371 = arith.constant 0 : i32
    %dma_wait3A_372 = arith.constant 0 : i32
    %dma_wait3A_373 = tpu.memref_slice %arg4[%dma_wait3A_371, %dma_wait3A_372] : memref<100000x128xf32, #tpu.memory_space<hbm>> -> memref<256x128xf32, #tpu.memory_space<hbm>>
    tpu.wait_dma2 semaphore(%arg14 : memref<!tpu.dma_semaphore, #tpu.memory_space<semaphore_mem>>) src(%dma_wait3A_373 : memref<256x128xf32, #tpu.memory_space<hbm>>) dst(%arg11 : memref<256x128xf32, #tpu.memory_space<vmem>>)
    %add3A_374 = arith.constant 256 : i32
    %add3A_375 = arith.addi %mul3A_2, %add3A_374 : i32
    %dma_start3A_376 = arith.constant 3 : i32
    %dma_start3A_377 = arith.constant 0 : i32
    %dma_start3A_378 = tpu.memref_slice %arg5[%dma_start3A_376, %add3A_375, %dma_start3A_377] : memref<7x16384x128xf32, #tpu.memory_space<hbm>> -> memref<1x256x128xf32, #tpu.memory_space<hbm>>
    %dma_start3A_379 = tpu.memref_squeeze %dma_start3A_378 : memref<1x256x128xf32, #tpu.memory_space<hbm>> -> memref<256x128xf32, #tpu.memory_space<hbm>>
    %dma_start3A_380 = arith.constant 0 : i32
    %dma_start3A_381 = tpu.memref_slice %arg5[%dma_start3A_376, %add3A_375, %dma_start3A_380] : memref<7x16384x128xf32, #tpu.memory_space<hbm>> -> memref<1x256x128xf32, #tpu.memory_space<hbm>>
    %dma_start3A_382 = tpu.memref_squeeze %dma_start3A_381 : memref<1x256x128xf32, #tpu.memory_space<hbm>> -> memref<256x128xf32, #tpu.memory_space<hbm>>
    tpu.enqueue_dma source(%arg11 : memref<256x128xf32, #tpu.memory_space<vmem>>) target(%dma_start3A_382 : memref<256x128xf32, #tpu.memory_space<hbm>>) target_semaphore(%arg15 : memref<!tpu.dma_semaphore, #tpu.memory_space<semaphore_mem>>)
    %dma_wait3A_383 = arith.constant 0 : i32
    %dma_wait3A_384 = arith.constant 0 : i32
    %dma_wait3A_385 = tpu.memref_slice %arg5[%dma_wait3A_383, %mul3A_2, %dma_wait3A_384] : memref<7x16384x128xf32, #tpu.memory_space<hbm>> -> memref<1x256x128xf32, #tpu.memory_space<hbm>>
    %dma_wait3A_386 = tpu.memref_squeeze %dma_wait3A_385 : memref<1x256x128xf32, #tpu.memory_space<hbm>> -> memref<256x128xf32, #tpu.memory_space<hbm>>
    %dma_wait3A_387 = arith.constant 0 : i32
    %dma_wait3A_388 = tpu.memref_slice %arg5[%dma_wait3A_383, %mul3A_2, %dma_wait3A_387] : memref<7x16384x128xf32, #tpu.memory_space<hbm>> -> memref<1x256x128xf32, #tpu.memory_space<hbm>>
    %dma_wait3A_389 = tpu.memref_squeeze %dma_wait3A_388 : memref<1x256x128xf32, #tpu.memory_space<hbm>> -> memref<256x128xf32, #tpu.memory_space<hbm>>
    tpu.wait_dma2 semaphore(%arg15 : memref<!tpu.dma_semaphore, #tpu.memory_space<semaphore_mem>>) src(%arg10 : memref<256x128xf32, #tpu.memory_space<vmem>>) dst(%dma_wait3A_389 : memref<256x128xf32, #tpu.memory_space<hbm>>)
    %dma_start3A_390 = arith.constant 4 : i32
    %dma_start3A_391 = arith.constant 0 : i32
    %dma_start3A_392 = arith.constant 0 : i32
    %dma_start3A_393 = tpu.memref_slice %arg10[%dma_start3A_391, %dma_start3A_392] : memref<256x128xf32, #tpu.memory_space<vmem>> -> memref<128x128xf32, #tpu.memory_space<vmem>>
    %dma_start3A_394 = arith.constant 0 : i32
    %dma_start3A_395 = tpu.memref_slice %arg8[%dma_start3A_390, %dma_start3A_394] : memref<7x128xi32, #tpu.memory_space<vmem>> -> memref<1x128xi32, #tpu.memory_space<vmem>>
    %dma_start3A_396 = tpu.memref_squeeze %dma_start3A_395 : memref<1x128xi32, #tpu.memory_space<vmem>> -> memref<128xi32, #tpu.memory_space<vmem>>
    %dma_start3A_397 = arith.constant 0 : i32
    %dma_start3A_398 = arith.constant 0 : i32
    %dma_start3A_399 = tpu.memref_slice %arg4[%dma_start3A_397, %dma_start3A_398] : memref<100000x128xf32, #tpu.memory_space<hbm>> -> memref<100000x128xf32, #tpu.memory_space<hbm>>
    tpu.enqueue_indirect_dma source(%dma_start3A_399 : memref<100000x128xf32, #tpu.memory_space<hbm>>) target(%dma_start3A_393 : memref<128x128xf32, #tpu.memory_space<vmem>>) offsets(%dma_start3A_396 : memref<128xi32, #tpu.memory_space<vmem>>) semaphore(%arg14 : memref<!tpu.dma_semaphore, #tpu.memory_space<semaphore_mem>>)
    %dma_start3A_400 = arith.constant 4 : i32
    %dma_start3A_401 = arith.constant 128 : i32
    %dma_start3A_402 = arith.constant 0 : i32
    %dma_start3A_403 = tpu.memref_slice %arg10[%dma_start3A_401, %dma_start3A_402] : memref<256x128xf32, #tpu.memory_space<vmem>> -> memref<128x128xf32, #tpu.memory_space<vmem>>
    %dma_start3A_404 = arith.constant 0 : i32
    %dma_start3A_405 = tpu.memref_slice %arg9[%dma_start3A_400, %dma_start3A_404] : memref<7x128xi32, #tpu.memory_space<vmem>> -> memref<1x128xi32, #tpu.memory_space<vmem>>
    %dma_start3A_406 = tpu.memref_squeeze %dma_start3A_405 : memref<1x128xi32, #tpu.memory_space<vmem>> -> memref<128xi32, #tpu.memory_space<vmem>>
    %dma_start3A_407 = arith.constant 0 : i32
    %dma_start3A_408 = arith.constant 0 : i32
    %dma_start3A_409 = tpu.memref_slice %arg4[%dma_start3A_407, %dma_start3A_408] : memref<100000x128xf32, #tpu.memory_space<hbm>> -> memref<100000x128xf32, #tpu.memory_space<hbm>>
    tpu.enqueue_indirect_dma source(%dma_start3A_409 : memref<100000x128xf32, #tpu.memory_space<hbm>>) target(%dma_start3A_403 : memref<128x128xf32, #tpu.memory_space<vmem>>) offsets(%dma_start3A_406 : memref<128xi32, #tpu.memory_space<vmem>>) semaphore(%arg14 : memref<!tpu.dma_semaphore, #tpu.memory_space<semaphore_mem>>)
    %dma_wait3A_410 = arith.constant 0 : i32
    %dma_wait3A_411 = arith.constant 0 : i32
    %dma_wait3A_412 = tpu.memref_slice %arg4[%dma_wait3A_410, %dma_wait3A_411] : memref<100000x128xf32, #tpu.memory_space<hbm>> -> memref<256x128xf32, #tpu.memory_space<hbm>>
    %dma_wait3A_413 = arith.constant 0 : i32
    %dma_wait3A_414 = arith.constant 0 : i32
    %dma_wait3A_415 = tpu.memref_slice %arg4[%dma_wait3A_413, %dma_wait3A_414] : memref<100000x128xf32, #tpu.memory_space<hbm>> -> memref<256x128xf32, #tpu.memory_space<hbm>>
    tpu.wait_dma2 semaphore(%arg14 : memref<!tpu.dma_semaphore, #tpu.memory_space<semaphore_mem>>) src(%dma_wait3A_415 : memref<256x128xf32, #tpu.memory_space<hbm>>) dst(%arg12 : memref<256x128xf32, #tpu.memory_space<vmem>>)
    %add3A_416 = arith.constant 0 : i32
    %add3A_417 = arith.addi %mul3A_2, %add3A_416 : i32
    %dma_start3A_418 = arith.constant 4 : i32
    %dma_start3A_419 = arith.constant 0 : i32
    %dma_start3A_420 = tpu.memref_slice %arg5[%dma_start3A_418, %add3A_417, %dma_start3A_419] : memref<7x16384x128xf32, #tpu.memory_space<hbm>> -> memref<1x256x128xf32, #tpu.memory_space<hbm>>
    %dma_start3A_421 = tpu.memref_squeeze %dma_start3A_420 : memref<1x256x128xf32, #tpu.memory_space<hbm>> -> memref<256x128xf32, #tpu.memory_space<hbm>>
    %dma_start3A_422 = arith.constant 0 : i32
    %dma_start3A_423 = tpu.memref_slice %arg5[%dma_start3A_418, %add3A_417, %dma_start3A_422] : memref<7x16384x128xf32, #tpu.memory_space<hbm>> -> memref<1x256x128xf32, #tpu.memory_space<hbm>>
    %dma_start3A_424 = tpu.memref_squeeze %dma_start3A_423 : memref<1x256x128xf32, #tpu.memory_space<hbm>> -> memref<256x128xf32, #tpu.memory_space<hbm>>
    tpu.enqueue_dma source(%arg12 : memref<256x128xf32, #tpu.memory_space<vmem>>) target(%dma_start3A_424 : memref<256x128xf32, #tpu.memory_space<hbm>>) target_semaphore(%arg15 : memref<!tpu.dma_semaphore, #tpu.memory_space<semaphore_mem>>)
    %dma_wait3A_425 = arith.constant 0 : i32
    %dma_wait3A_426 = arith.constant 0 : i32
    %dma_wait3A_427 = tpu.memref_slice %arg5[%dma_wait3A_425, %mul3A_2, %dma_wait3A_426] : memref<7x16384x128xf32, #tpu.memory_space<hbm>> -> memref<1x256x128xf32, #tpu.memory_space<hbm>>
    %dma_wait3A_428 = tpu.memref_squeeze %dma_wait3A_427 : memref<1x256x128xf32, #tpu.memory_space<hbm>> -> memref<256x128xf32, #tpu.memory_space<hbm>>
    %dma_wait3A_429 = arith.constant 0 : i32
    %dma_wait3A_430 = tpu.memref_slice %arg5[%dma_wait3A_425, %mul3A_2, %dma_wait3A_429] : memref<7x16384x128xf32, #tpu.memory_space<hbm>> -> memref<1x256x128xf32, #tpu.memory_space<hbm>>
    %dma_wait3A_431 = tpu.memref_squeeze %dma_wait3A_430 : memref<1x256x128xf32, #tpu.memory_space<hbm>> -> memref<256x128xf32, #tpu.memory_space<hbm>>
    tpu.wait_dma2 semaphore(%arg15 : memref<!tpu.dma_semaphore, #tpu.memory_space<semaphore_mem>>) src(%arg10 : memref<256x128xf32, #tpu.memory_space<vmem>>) dst(%dma_wait3A_431 : memref<256x128xf32, #tpu.memory_space<hbm>>)
    %dma_start3A_432 = arith.constant 5 : i32
    %dma_start3A_433 = arith.constant 0 : i32
    %dma_start3A_434 = arith.constant 0 : i32
    %dma_start3A_435 = tpu.memref_slice %arg11[%dma_start3A_433, %dma_start3A_434] : memref<256x128xf32, #tpu.memory_space<vmem>> -> memref<128x128xf32, #tpu.memory_space<vmem>>
    %dma_start3A_436 = arith.constant 0 : i32
    %dma_start3A_437 = tpu.memref_slice %arg6[%dma_start3A_432, %dma_start3A_436] : memref<7x128xi32, #tpu.memory_space<vmem>> -> memref<1x128xi32, #tpu.memory_space<vmem>>
    %dma_start3A_438 = tpu.memref_squeeze %dma_start3A_437 : memref<1x128xi32, #tpu.memory_space<vmem>> -> memref<128xi32, #tpu.memory_space<vmem>>
    %dma_start3A_439 = arith.constant 0 : i32
    %dma_start3A_440 = arith.constant 0 : i32
    %dma_start3A_441 = tpu.memref_slice %arg4[%dma_start3A_439, %dma_start3A_440] : memref<100000x128xf32, #tpu.memory_space<hbm>> -> memref<100000x128xf32, #tpu.memory_space<hbm>>
    tpu.enqueue_indirect_dma source(%dma_start3A_441 : memref<100000x128xf32, #tpu.memory_space<hbm>>) target(%dma_start3A_435 : memref<128x128xf32, #tpu.memory_space<vmem>>) offsets(%dma_start3A_438 : memref<128xi32, #tpu.memory_space<vmem>>) semaphore(%arg14 : memref<!tpu.dma_semaphore, #tpu.memory_space<semaphore_mem>>)
    %dma_start3A_442 = arith.constant 5 : i32
    %dma_start3A_443 = arith.constant 128 : i32
    %dma_start3A_444 = arith.constant 0 : i32
    %dma_start3A_445 = tpu.memref_slice %arg11[%dma_start3A_443, %dma_start3A_444] : memref<256x128xf32, #tpu.memory_space<vmem>> -> memref<128x128xf32, #tpu.memory_space<vmem>>
    %dma_start3A_446 = arith.constant 0 : i32
    %dma_start3A_447 = tpu.memref_slice %arg7[%dma_start3A_442, %dma_start3A_446] : memref<7x128xi32, #tpu.memory_space<vmem>> -> memref<1x128xi32, #tpu.memory_space<vmem>>
    %dma_start3A_448 = tpu.memref_squeeze %dma_start3A_447 : memref<1x128xi32, #tpu.memory_space<vmem>> -> memref<128xi32, #tpu.memory_space<vmem>>
    %dma_start3A_449 = arith.constant 0 : i32
    %dma_start3A_450 = arith.constant 0 : i32
    %dma_start3A_451 = tpu.memref_slice %arg4[%dma_start3A_449, %dma_start3A_450] : memref<100000x128xf32, #tpu.memory_space<hbm>> -> memref<100000x128xf32, #tpu.memory_space<hbm>>
    tpu.enqueue_indirect_dma source(%dma_start3A_451 : memref<100000x128xf32, #tpu.memory_space<hbm>>) target(%dma_start3A_445 : memref<128x128xf32, #tpu.memory_space<vmem>>) offsets(%dma_start3A_448 : memref<128xi32, #tpu.memory_space<vmem>>) semaphore(%arg14 : memref<!tpu.dma_semaphore, #tpu.memory_space<semaphore_mem>>)
    %dma_wait3A_452 = arith.constant 0 : i32
    %dma_wait3A_453 = arith.constant 0 : i32
    %dma_wait3A_454 = tpu.memref_slice %arg4[%dma_wait3A_452, %dma_wait3A_453] : memref<100000x128xf32, #tpu.memory_space<hbm>> -> memref<256x128xf32, #tpu.memory_space<hbm>>
    %dma_wait3A_455 = arith.constant 0 : i32
    %dma_wait3A_456 = arith.constant 0 : i32
    %dma_wait3A_457 = tpu.memref_slice %arg4[%dma_wait3A_455, %dma_wait3A_456] : memref<100000x128xf32, #tpu.memory_space<hbm>> -> memref<256x128xf32, #tpu.memory_space<hbm>>
    tpu.wait_dma2 semaphore(%arg14 : memref<!tpu.dma_semaphore, #tpu.memory_space<semaphore_mem>>) src(%dma_wait3A_457 : memref<256x128xf32, #tpu.memory_space<hbm>>) dst(%arg10 : memref<256x128xf32, #tpu.memory_space<vmem>>)
    %add3A_458 = arith.constant 256 : i32
    %add3A_459 = arith.addi %mul3A_2, %add3A_458 : i32
    %dma_start3A_460 = arith.constant 4 : i32
    %dma_start3A_461 = arith.constant 0 : i32
    %dma_start3A_462 = tpu.memref_slice %arg5[%dma_start3A_460, %add3A_459, %dma_start3A_461] : memref<7x16384x128xf32, #tpu.memory_space<hbm>> -> memref<1x256x128xf32, #tpu.memory_space<hbm>>
    %dma_start3A_463 = tpu.memref_squeeze %dma_start3A_462 : memref<1x256x128xf32, #tpu.memory_space<hbm>> -> memref<256x128xf32, #tpu.memory_space<hbm>>
    %dma_start3A_464 = arith.constant 0 : i32
    %dma_start3A_465 = tpu.memref_slice %arg5[%dma_start3A_460, %add3A_459, %dma_start3A_464] : memref<7x16384x128xf32, #tpu.memory_space<hbm>> -> memref<1x256x128xf32, #tpu.memory_space<hbm>>
    %dma_start3A_466 = tpu.memref_squeeze %dma_start3A_465 : memref<1x256x128xf32, #tpu.memory_space<hbm>> -> memref<256x128xf32, #tpu.memory_space<hbm>>
    tpu.enqueue_dma source(%arg10 : memref<256x128xf32, #tpu.memory_space<vmem>>) target(%dma_start3A_466 : memref<256x128xf32, #tpu.memory_space<hbm>>) target_semaphore(%arg15 : memref<!tpu.dma_semaphore, #tpu.memory_space<semaphore_mem>>)
    %dma_wait3A_467 = arith.constant 0 : i32
    %dma_wait3A_468 = arith.constant 0 : i32
    %dma_wait3A_469 = tpu.memref_slice %arg5[%dma_wait3A_467, %mul3A_2, %dma_wait3A_468] : memref<7x16384x128xf32, #tpu.memory_space<hbm>> -> memref<1x256x128xf32, #tpu.memory_space<hbm>>
    %dma_wait3A_470 = tpu.memref_squeeze %dma_wait3A_469 : memref<1x256x128xf32, #tpu.memory_space<hbm>> -> memref<256x128xf32, #tpu.memory_space<hbm>>
    %dma_wait3A_471 = arith.constant 0 : i32
    %dma_wait3A_472 = tpu.memref_slice %arg5[%dma_wait3A_467, %mul3A_2, %dma_wait3A_471] : memref<7x16384x128xf32, #tpu.memory_space<hbm>> -> memref<1x256x128xf32, #tpu.memory_space<hbm>>
    %dma_wait3A_473 = tpu.memref_squeeze %dma_wait3A_472 : memref<1x256x128xf32, #tpu.memory_space<hbm>> -> memref<256x128xf32, #tpu.memory_space<hbm>>
    tpu.wait_dma2 semaphore(%arg15 : memref<!tpu.dma_semaphore, #tpu.memory_space<semaphore_mem>>) src(%arg10 : memref<256x128xf32, #tpu.memory_space<vmem>>) dst(%dma_wait3A_473 : memref<256x128xf32, #tpu.memory_space<hbm>>)
    %dma_start3A_474 = arith.constant 5 : i32
    %dma_start3A_475 = arith.constant 0 : i32
    %dma_start3A_476 = arith.constant 0 : i32
    %dma_start3A_477 = tpu.memref_slice %arg12[%dma_start3A_475, %dma_start3A_476] : memref<256x128xf32, #tpu.memory_space<vmem>> -> memref<128x128xf32, #tpu.memory_space<vmem>>
    %dma_start3A_478 = arith.constant 0 : i32
    %dma_start3A_479 = tpu.memref_slice %arg8[%dma_start3A_474, %dma_start3A_478] : memref<7x128xi32, #tpu.memory_space<vmem>> -> memref<1x128xi32, #tpu.memory_space<vmem>>
    %dma_start3A_480 = tpu.memref_squeeze %dma_start3A_479 : memref<1x128xi32, #tpu.memory_space<vmem>> -> memref<128xi32, #tpu.memory_space<vmem>>
    %dma_start3A_481 = arith.constant 0 : i32
    %dma_start3A_482 = arith.constant 0 : i32
    %dma_start3A_483 = tpu.memref_slice %arg4[%dma_start3A_481, %dma_start3A_482] : memref<100000x128xf32, #tpu.memory_space<hbm>> -> memref<100000x128xf32, #tpu.memory_space<hbm>>
    tpu.enqueue_indirect_dma source(%dma_start3A_483 : memref<100000x128xf32, #tpu.memory_space<hbm>>) target(%dma_start3A_477 : memref<128x128xf32, #tpu.memory_space<vmem>>) offsets(%dma_start3A_480 : memref<128xi32, #tpu.memory_space<vmem>>) semaphore(%arg14 : memref<!tpu.dma_semaphore, #tpu.memory_space<semaphore_mem>>)
    %dma_start3A_484 = arith.constant 5 : i32
    %dma_start3A_485 = arith.constant 128 : i32
    %dma_start3A_486 = arith.constant 0 : i32
    %dma_start3A_487 = tpu.memref_slice %arg12[%dma_start3A_485, %dma_start3A_486] : memref<256x128xf32, #tpu.memory_space<vmem>> -> memref<128x128xf32, #tpu.memory_space<vmem>>
    %dma_start3A_488 = arith.constant 0 : i32
    %dma_start3A_489 = tpu.memref_slice %arg9[%dma_start3A_484, %dma_start3A_488] : memref<7x128xi32, #tpu.memory_space<vmem>> -> memref<1x128xi32, #tpu.memory_space<vmem>>
    %dma_start3A_490 = tpu.memref_squeeze %dma_start3A_489 : memref<1x128xi32, #tpu.memory_space<vmem>> -> memref<128xi32, #tpu.memory_space<vmem>>
    %dma_start3A_491 = arith.constant 0 : i32
    %dma_start3A_492 = arith.constant 0 : i32
    %dma_start3A_493 = tpu.memref_slice %arg4[%dma_start3A_491, %dma_start3A_492] : memref<100000x128xf32, #tpu.memory_space<hbm>> -> memref<100000x128xf32, #tpu.memory_space<hbm>>
    tpu.enqueue_indirect_dma source(%dma_start3A_493 : memref<100000x128xf32, #tpu.memory_space<hbm>>) target(%dma_start3A_487 : memref<128x128xf32, #tpu.memory_space<vmem>>) offsets(%dma_start3A_490 : memref<128xi32, #tpu.memory_space<vmem>>) semaphore(%arg14 : memref<!tpu.dma_semaphore, #tpu.memory_space<semaphore_mem>>)
    %dma_wait3A_494 = arith.constant 0 : i32
    %dma_wait3A_495 = arith.constant 0 : i32
    %dma_wait3A_496 = tpu.memref_slice %arg4[%dma_wait3A_494, %dma_wait3A_495] : memref<100000x128xf32, #tpu.memory_space<hbm>> -> memref<256x128xf32, #tpu.memory_space<hbm>>
    %dma_wait3A_497 = arith.constant 0 : i32
    %dma_wait3A_498 = arith.constant 0 : i32
    %dma_wait3A_499 = tpu.memref_slice %arg4[%dma_wait3A_497, %dma_wait3A_498] : memref<100000x128xf32, #tpu.memory_space<hbm>> -> memref<256x128xf32, #tpu.memory_space<hbm>>
    tpu.wait_dma2 semaphore(%arg14 : memref<!tpu.dma_semaphore, #tpu.memory_space<semaphore_mem>>) src(%dma_wait3A_499 : memref<256x128xf32, #tpu.memory_space<hbm>>) dst(%arg11 : memref<256x128xf32, #tpu.memory_space<vmem>>)
    %add3A_500 = arith.constant 0 : i32
    %add3A_501 = arith.addi %mul3A_2, %add3A_500 : i32
    %dma_start3A_502 = arith.constant 5 : i32
    %dma_start3A_503 = arith.constant 0 : i32
    %dma_start3A_504 = tpu.memref_slice %arg5[%dma_start3A_502, %add3A_501, %dma_start3A_503] : memref<7x16384x128xf32, #tpu.memory_space<hbm>> -> memref<1x256x128xf32, #tpu.memory_space<hbm>>
    %dma_start3A_505 = tpu.memref_squeeze %dma_start3A_504 : memref<1x256x128xf32, #tpu.memory_space<hbm>> -> memref<256x128xf32, #tpu.memory_space<hbm>>
    %dma_start3A_506 = arith.constant 0 : i32
    %dma_start3A_507 = tpu.memref_slice %arg5[%dma_start3A_502, %add3A_501, %dma_start3A_506] : memref<7x16384x128xf32, #tpu.memory_space<hbm>> -> memref<1x256x128xf32, #tpu.memory_space<hbm>>
    %dma_start3A_508 = tpu.memref_squeeze %dma_start3A_507 : memref<1x256x128xf32, #tpu.memory_space<hbm>> -> memref<256x128xf32, #tpu.memory_space<hbm>>
    tpu.enqueue_dma source(%arg11 : memref<256x128xf32, #tpu.memory_space<vmem>>) target(%dma_start3A_508 : memref<256x128xf32, #tpu.memory_space<hbm>>) target_semaphore(%arg15 : memref<!tpu.dma_semaphore, #tpu.memory_space<semaphore_mem>>)
    %dma_wait3A_509 = arith.constant 0 : i32
    %dma_wait3A_510 = arith.constant 0 : i32
    %dma_wait3A_511 = tpu.memref_slice %arg5[%dma_wait3A_509, %mul3A_2, %dma_wait3A_510] : memref<7x16384x128xf32, #tpu.memory_space<hbm>> -> memref<1x256x128xf32, #tpu.memory_space<hbm>>
    %dma_wait3A_512 = tpu.memref_squeeze %dma_wait3A_511 : memref<1x256x128xf32, #tpu.memory_space<hbm>> -> memref<256x128xf32, #tpu.memory_space<hbm>>
    %dma_wait3A_513 = arith.constant 0 : i32
    %dma_wait3A_514 = tpu.memref_slice %arg5[%dma_wait3A_509, %mul3A_2, %dma_wait3A_513] : memref<7x16384x128xf32, #tpu.memory_space<hbm>> -> memref<1x256x128xf32, #tpu.memory_space<hbm>>
    %dma_wait3A_515 = tpu.memref_squeeze %dma_wait3A_514 : memref<1x256x128xf32, #tpu.memory_space<hbm>> -> memref<256x128xf32, #tpu.memory_space<hbm>>
    tpu.wait_dma2 semaphore(%arg15 : memref<!tpu.dma_semaphore, #tpu.memory_space<semaphore_mem>>) src(%arg10 : memref<256x128xf32, #tpu.memory_space<vmem>>) dst(%dma_wait3A_515 : memref<256x128xf32, #tpu.memory_space<hbm>>)
    %dma_start3A_516 = arith.constant 6 : i32
    %dma_start3A_517 = arith.constant 0 : i32
    %dma_start3A_518 = arith.constant 0 : i32
    %dma_start3A_519 = tpu.memref_slice %arg10[%dma_start3A_517, %dma_start3A_518] : memref<256x128xf32, #tpu.memory_space<vmem>> -> memref<128x128xf32, #tpu.memory_space<vmem>>
    %dma_start3A_520 = arith.constant 0 : i32
    %dma_start3A_521 = tpu.memref_slice %arg6[%dma_start3A_516, %dma_start3A_520] : memref<7x128xi32, #tpu.memory_space<vmem>> -> memref<1x128xi32, #tpu.memory_space<vmem>>
    %dma_start3A_522 = tpu.memref_squeeze %dma_start3A_521 : memref<1x128xi32, #tpu.memory_space<vmem>> -> memref<128xi32, #tpu.memory_space<vmem>>
    %dma_start3A_523 = arith.constant 0 : i32
    %dma_start3A_524 = arith.constant 0 : i32
    %dma_start3A_525 = tpu.memref_slice %arg4[%dma_start3A_523, %dma_start3A_524] : memref<100000x128xf32, #tpu.memory_space<hbm>> -> memref<100000x128xf32, #tpu.memory_space<hbm>>
    tpu.enqueue_indirect_dma source(%dma_start3A_525 : memref<100000x128xf32, #tpu.memory_space<hbm>>) target(%dma_start3A_519 : memref<128x128xf32, #tpu.memory_space<vmem>>) offsets(%dma_start3A_522 : memref<128xi32, #tpu.memory_space<vmem>>) semaphore(%arg14 : memref<!tpu.dma_semaphore, #tpu.memory_space<semaphore_mem>>)
    %dma_start3A_526 = arith.constant 6 : i32
    %dma_start3A_527 = arith.constant 128 : i32
    %dma_start3A_528 = arith.constant 0 : i32
    %dma_start3A_529 = tpu.memref_slice %arg10[%dma_start3A_527, %dma_start3A_528] : memref<256x128xf32, #tpu.memory_space<vmem>> -> memref<128x128xf32, #tpu.memory_space<vmem>>
    %dma_start3A_530 = arith.constant 0 : i32
    %dma_start3A_531 = tpu.memref_slice %arg7[%dma_start3A_526, %dma_start3A_530] : memref<7x128xi32, #tpu.memory_space<vmem>> -> memref<1x128xi32, #tpu.memory_space<vmem>>
    %dma_start3A_532 = tpu.memref_squeeze %dma_start3A_531 : memref<1x128xi32, #tpu.memory_space<vmem>> -> memref<128xi32, #tpu.memory_space<vmem>>
    %dma_start3A_533 = arith.constant 0 : i32
    %dma_start3A_534 = arith.constant 0 : i32
    %dma_start3A_535 = tpu.memref_slice %arg4[%dma_start3A_533, %dma_start3A_534] : memref<100000x128xf32, #tpu.memory_space<hbm>> -> memref<100000x128xf32, #tpu.memory_space<hbm>>
    tpu.enqueue_indirect_dma source(%dma_start3A_535 : memref<100000x128xf32, #tpu.memory_space<hbm>>) target(%dma_start3A_529 : memref<128x128xf32, #tpu.memory_space<vmem>>) offsets(%dma_start3A_532 : memref<128xi32, #tpu.memory_space<vmem>>) semaphore(%arg14 : memref<!tpu.dma_semaphore, #tpu.memory_space<semaphore_mem>>)
    %dma_wait3A_536 = arith.constant 0 : i32
    %dma_wait3A_537 = arith.constant 0 : i32
    %dma_wait3A_538 = tpu.memref_slice %arg4[%dma_wait3A_536, %dma_wait3A_537] : memref<100000x128xf32, #tpu.memory_space<hbm>> -> memref<256x128xf32, #tpu.memory_space<hbm>>
    %dma_wait3A_539 = arith.constant 0 : i32
    %dma_wait3A_540 = arith.constant 0 : i32
    %dma_wait3A_541 = tpu.memref_slice %arg4[%dma_wait3A_539, %dma_wait3A_540] : memref<100000x128xf32, #tpu.memory_space<hbm>> -> memref<256x128xf32, #tpu.memory_space<hbm>>
    tpu.wait_dma2 semaphore(%arg14 : memref<!tpu.dma_semaphore, #tpu.memory_space<semaphore_mem>>) src(%dma_wait3A_541 : memref<256x128xf32, #tpu.memory_space<hbm>>) dst(%arg12 : memref<256x128xf32, #tpu.memory_space<vmem>>)
    %add3A_542 = arith.constant 256 : i32
    %add3A_543 = arith.addi %mul3A_2, %add3A_542 : i32
    %dma_start3A_544 = arith.constant 5 : i32
    %dma_start3A_545 = arith.constant 0 : i32
    %dma_start3A_546 = tpu.memref_slice %arg5[%dma_start3A_544, %add3A_543, %dma_start3A_545] : memref<7x16384x128xf32, #tpu.memory_space<hbm>> -> memref<1x256x128xf32, #tpu.memory_space<hbm>>
    %dma_start3A_547 = tpu.memref_squeeze %dma_start3A_546 : memref<1x256x128xf32, #tpu.memory_space<hbm>> -> memref<256x128xf32, #tpu.memory_space<hbm>>
    %dma_start3A_548 = arith.constant 0 : i32
    %dma_start3A_549 = tpu.memref_slice %arg5[%dma_start3A_544, %add3A_543, %dma_start3A_548] : memref<7x16384x128xf32, #tpu.memory_space<hbm>> -> memref<1x256x128xf32, #tpu.memory_space<hbm>>
    %dma_start3A_550 = tpu.memref_squeeze %dma_start3A_549 : memref<1x256x128xf32, #tpu.memory_space<hbm>> -> memref<256x128xf32, #tpu.memory_space<hbm>>
    tpu.enqueue_dma source(%arg12 : memref<256x128xf32, #tpu.memory_space<vmem>>) target(%dma_start3A_550 : memref<256x128xf32, #tpu.memory_space<hbm>>) target_semaphore(%arg15 : memref<!tpu.dma_semaphore, #tpu.memory_space<semaphore_mem>>)
    %dma_wait3A_551 = arith.constant 0 : i32
    %dma_wait3A_552 = arith.constant 0 : i32
    %dma_wait3A_553 = tpu.memref_slice %arg5[%dma_wait3A_551, %mul3A_2, %dma_wait3A_552] : memref<7x16384x128xf32, #tpu.memory_space<hbm>> -> memref<1x256x128xf32, #tpu.memory_space<hbm>>
    %dma_wait3A_554 = tpu.memref_squeeze %dma_wait3A_553 : memref<1x256x128xf32, #tpu.memory_space<hbm>> -> memref<256x128xf32, #tpu.memory_space<hbm>>
    %dma_wait3A_555 = arith.constant 0 : i32
    %dma_wait3A_556 = tpu.memref_slice %arg5[%dma_wait3A_551, %mul3A_2, %dma_wait3A_555] : memref<7x16384x128xf32, #tpu.memory_space<hbm>> -> memref<1x256x128xf32, #tpu.memory_space<hbm>>
    %dma_wait3A_557 = tpu.memref_squeeze %dma_wait3A_556 : memref<1x256x128xf32, #tpu.memory_space<hbm>> -> memref<256x128xf32, #tpu.memory_space<hbm>>
    tpu.wait_dma2 semaphore(%arg15 : memref<!tpu.dma_semaphore, #tpu.memory_space<semaphore_mem>>) src(%arg10 : memref<256x128xf32, #tpu.memory_space<vmem>>) dst(%dma_wait3A_557 : memref<256x128xf32, #tpu.memory_space<hbm>>)
    %dma_start3A_558 = arith.constant 6 : i32
    %dma_start3A_559 = arith.constant 0 : i32
    %dma_start3A_560 = arith.constant 0 : i32
    %dma_start3A_561 = tpu.memref_slice %arg11[%dma_start3A_559, %dma_start3A_560] : memref<256x128xf32, #tpu.memory_space<vmem>> -> memref<128x128xf32, #tpu.memory_space<vmem>>
    %dma_start3A_562 = arith.constant 0 : i32
    %dma_start3A_563 = tpu.memref_slice %arg8[%dma_start3A_558, %dma_start3A_562] : memref<7x128xi32, #tpu.memory_space<vmem>> -> memref<1x128xi32, #tpu.memory_space<vmem>>
    %dma_start3A_564 = tpu.memref_squeeze %dma_start3A_563 : memref<1x128xi32, #tpu.memory_space<vmem>> -> memref<128xi32, #tpu.memory_space<vmem>>
    %dma_start3A_565 = arith.constant 0 : i32
    %dma_start3A_566 = arith.constant 0 : i32
    %dma_start3A_567 = tpu.memref_slice %arg4[%dma_start3A_565, %dma_start3A_566] : memref<100000x128xf32, #tpu.memory_space<hbm>> -> memref<100000x128xf32, #tpu.memory_space<hbm>>
    tpu.enqueue_indirect_dma source(%dma_start3A_567 : memref<100000x128xf32, #tpu.memory_space<hbm>>) target(%dma_start3A_561 : memref<128x128xf32, #tpu.memory_space<vmem>>) offsets(%dma_start3A_564 : memref<128xi32, #tpu.memory_space<vmem>>) semaphore(%arg14 : memref<!tpu.dma_semaphore, #tpu.memory_space<semaphore_mem>>)
    %dma_start3A_568 = arith.constant 6 : i32
    %dma_start3A_569 = arith.constant 128 : i32
    %dma_start3A_570 = arith.constant 0 : i32
    %dma_start3A_571 = tpu.memref_slice %arg11[%dma_start3A_569, %dma_start3A_570] : memref<256x128xf32, #tpu.memory_space<vmem>> -> memref<128x128xf32, #tpu.memory_space<vmem>>
    %dma_start3A_572 = arith.constant 0 : i32
    %dma_start3A_573 = tpu.memref_slice %arg9[%dma_start3A_568, %dma_start3A_572] : memref<7x128xi32, #tpu.memory_space<vmem>> -> memref<1x128xi32, #tpu.memory_space<vmem>>
    %dma_start3A_574 = tpu.memref_squeeze %dma_start3A_573 : memref<1x128xi32, #tpu.memory_space<vmem>> -> memref<128xi32, #tpu.memory_space<vmem>>
    %dma_start3A_575 = arith.constant 0 : i32
    %dma_start3A_576 = arith.constant 0 : i32
    %dma_start3A_577 = tpu.memref_slice %arg4[%dma_start3A_575, %dma_start3A_576] : memref<100000x128xf32, #tpu.memory_space<hbm>> -> memref<100000x128xf32, #tpu.memory_space<hbm>>
    tpu.enqueue_indirect_dma source(%dma_start3A_577 : memref<100000x128xf32, #tpu.memory_space<hbm>>) target(%dma_start3A_571 : memref<128x128xf32, #tpu.memory_space<vmem>>) offsets(%dma_start3A_574 : memref<128xi32, #tpu.memory_space<vmem>>) semaphore(%arg14 : memref<!tpu.dma_semaphore, #tpu.memory_space<semaphore_mem>>)
    %dma_wait3A_578 = arith.constant 0 : i32
    %dma_wait3A_579 = arith.constant 0 : i32
    %dma_wait3A_580 = tpu.memref_slice %arg4[%dma_wait3A_578, %dma_wait3A_579] : memref<100000x128xf32, #tpu.memory_space<hbm>> -> memref<256x128xf32, #tpu.memory_space<hbm>>
    %dma_wait3A_581 = arith.constant 0 : i32
    %dma_wait3A_582 = arith.constant 0 : i32
    %dma_wait3A_583 = tpu.memref_slice %arg4[%dma_wait3A_581, %dma_wait3A_582] : memref<100000x128xf32, #tpu.memory_space<hbm>> -> memref<256x128xf32, #tpu.memory_space<hbm>>
    tpu.wait_dma2 semaphore(%arg14 : memref<!tpu.dma_semaphore, #tpu.memory_space<semaphore_mem>>) src(%dma_wait3A_583 : memref<256x128xf32, #tpu.memory_space<hbm>>) dst(%arg10 : memref<256x128xf32, #tpu.memory_space<vmem>>)
    %add3A_584 = arith.constant 0 : i32
    %add3A_585 = arith.addi %mul3A_2, %add3A_584 : i32
    %dma_start3A_586 = arith.constant 6 : i32
    %dma_start3A_587 = arith.constant 0 : i32
    %dma_start3A_588 = tpu.memref_slice %arg5[%dma_start3A_586, %add3A_585, %dma_start3A_587] : memref<7x16384x128xf32, #tpu.memory_space<hbm>> -> memref<1x256x128xf32, #tpu.memory_space<hbm>>
    %dma_start3A_589 = tpu.memref_squeeze %dma_start3A_588 : memref<1x256x128xf32, #tpu.memory_space<hbm>> -> memref<256x128xf32, #tpu.memory_space<hbm>>
    %dma_start3A_590 = arith.constant 0 : i32
    %dma_start3A_591 = tpu.memref_slice %arg5[%dma_start3A_586, %add3A_585, %dma_start3A_590] : memref<7x16384x128xf32, #tpu.memory_space<hbm>> -> memref<1x256x128xf32, #tpu.memory_space<hbm>>
    %dma_start3A_592 = tpu.memref_squeeze %dma_start3A_591 : memref<1x256x128xf32, #tpu.memory_space<hbm>> -> memref<256x128xf32, #tpu.memory_space<hbm>>
    tpu.enqueue_dma source(%arg10 : memref<256x128xf32, #tpu.memory_space<vmem>>) target(%dma_start3A_592 : memref<256x128xf32, #tpu.memory_space<hbm>>) target_semaphore(%arg15 : memref<!tpu.dma_semaphore, #tpu.memory_space<semaphore_mem>>)
    %dma_wait3A_593 = arith.constant 0 : i32
    %dma_wait3A_594 = arith.constant 0 : i32
    %dma_wait3A_595 = tpu.memref_slice %arg4[%dma_wait3A_593, %dma_wait3A_594] : memref<100000x128xf32, #tpu.memory_space<hbm>> -> memref<256x128xf32, #tpu.memory_space<hbm>>
    %dma_wait3A_596 = arith.constant 0 : i32
    %dma_wait3A_597 = arith.constant 0 : i32
    %dma_wait3A_598 = tpu.memref_slice %arg4[%dma_wait3A_596, %dma_wait3A_597] : memref<100000x128xf32, #tpu.memory_space<hbm>> -> memref<256x128xf32, #tpu.memory_space<hbm>>
    tpu.wait_dma2 semaphore(%arg14 : memref<!tpu.dma_semaphore, #tpu.memory_space<semaphore_mem>>) src(%dma_wait3A_598 : memref<256x128xf32, #tpu.memory_space<hbm>>) dst(%arg11 : memref<256x128xf32, #tpu.memory_space<vmem>>)
    %add3A_599 = arith.constant 256 : i32
    %add3A_600 = arith.addi %mul3A_2, %add3A_599 : i32
    %dma_start3A_601 = arith.constant 6 : i32
    %dma_start3A_602 = arith.constant 0 : i32
    %dma_start3A_603 = tpu.memref_slice %arg5[%dma_start3A_601, %add3A_600, %dma_start3A_602] : memref<7x16384x128xf32, #tpu.memory_space<hbm>> -> memref<1x256x128xf32, #tpu.memory_space<hbm>>
    %dma_start3A_604 = tpu.memref_squeeze %dma_start3A_603 : memref<1x256x128xf32, #tpu.memory_space<hbm>> -> memref<256x128xf32, #tpu.memory_space<hbm>>
    %dma_start3A_605 = arith.constant 0 : i32
    %dma_start3A_606 = tpu.memref_slice %arg5[%dma_start3A_601, %add3A_600, %dma_start3A_605] : memref<7x16384x128xf32, #tpu.memory_space<hbm>> -> memref<1x256x128xf32, #tpu.memory_space<hbm>>
    %dma_start3A_607 = tpu.memref_squeeze %dma_start3A_606 : memref<1x256x128xf32, #tpu.memory_space<hbm>> -> memref<256x128xf32, #tpu.memory_space<hbm>>
    tpu.enqueue_dma source(%arg11 : memref<256x128xf32, #tpu.memory_space<vmem>>) target(%dma_start3A_607 : memref<256x128xf32, #tpu.memory_space<hbm>>) target_semaphore(%arg15 : memref<!tpu.dma_semaphore, #tpu.memory_space<semaphore_mem>>)
    %dma_wait3A_608 = arith.constant 0 : i32
    %dma_wait3A_609 = arith.constant 0 : i32
    %dma_wait3A_610 = tpu.memref_slice %arg5[%dma_wait3A_608, %mul3A_2, %dma_wait3A_609] : memref<7x16384x128xf32, #tpu.memory_space<hbm>> -> memref<1x256x128xf32, #tpu.memory_space<hbm>>
    %dma_wait3A_611 = tpu.memref_squeeze %dma_wait3A_610 : memref<1x256x128xf32, #tpu.memory_space<hbm>> -> memref<256x128xf32, #tpu.memory_space<hbm>>
    %dma_wait3A_612 = arith.constant 0 : i32
    %dma_wait3A_613 = tpu.memref_slice %arg5[%dma_wait3A_608, %mul3A_2, %dma_wait3A_612] : memref<7x16384x128xf32, #tpu.memory_space<hbm>> -> memref<1x256x128xf32, #tpu.memory_space<hbm>>
    %dma_wait3A_614 = tpu.memref_squeeze %dma_wait3A_613 : memref<1x256x128xf32, #tpu.memory_space<hbm>> -> memref<256x128xf32, #tpu.memory_space<hbm>>
    tpu.wait_dma2 semaphore(%arg15 : memref<!tpu.dma_semaphore, #tpu.memory_space<semaphore_mem>>) src(%arg10 : memref<256x128xf32, #tpu.memory_space<vmem>>) dst(%dma_wait3A_614 : memref<256x128xf32, #tpu.memory_space<hbm>>)
    %dma_wait3A_615 = arith.constant 0 : i32
    %dma_wait3A_616 = arith.constant 0 : i32
    %dma_wait3A_617 = tpu.memref_slice %arg5[%dma_wait3A_615, %mul3A_2, %dma_wait3A_616] : memref<7x16384x128xf32, #tpu.memory_space<hbm>> -> memref<1x256x128xf32, #tpu.memory_space<hbm>>
    %dma_wait3A_618 = tpu.memref_squeeze %dma_wait3A_617 : memref<1x256x128xf32, #tpu.memory_space<hbm>> -> memref<256x128xf32, #tpu.memory_space<hbm>>
    %dma_wait3A_619 = arith.constant 0 : i32
    %dma_wait3A_620 = tpu.memref_slice %arg5[%dma_wait3A_615, %mul3A_2, %dma_wait3A_619] : memref<7x16384x128xf32, #tpu.memory_space<hbm>> -> memref<1x256x128xf32, #tpu.memory_space<hbm>>
    %dma_wait3A_621 = tpu.memref_squeeze %dma_wait3A_620 : memref<1x256x128xf32, #tpu.memory_space<hbm>> -> memref<256x128xf32, #tpu.memory_space<hbm>>
    tpu.wait_dma2 semaphore(%arg15 : memref<!tpu.dma_semaphore, #tpu.memory_space<semaphore_mem>>) src(%arg10 : memref<256x128xf32, #tpu.memory_space<vmem>>) dst(%dma_wait3A_621 : memref<256x128xf32, #tpu.memory_space<hbm>>)
    %dma_wait3A_622 = arith.constant 0 : i32
    %dma_wait3A_623 = arith.constant 0 : i32
    %dma_wait3A_624 = tpu.memref_slice %arg5[%dma_wait3A_622, %mul3A_2, %dma_wait3A_623] : memref<7x16384x128xf32, #tpu.memory_space<hbm>> -> memref<1x256x128xf32, #tpu.memory_space<hbm>>
    %dma_wait3A_625 = tpu.memref_squeeze %dma_wait3A_624 : memref<1x256x128xf32, #tpu.memory_space<hbm>> -> memref<256x128xf32, #tpu.memory_space<hbm>>
    %dma_wait3A_626 = arith.constant 0 : i32
    %dma_wait3A_627 = tpu.memref_slice %arg5[%dma_wait3A_622, %mul3A_2, %dma_wait3A_626] : memref<7x16384x128xf32, #tpu.memory_space<hbm>> -> memref<1x256x128xf32, #tpu.memory_space<hbm>>
    %dma_wait3A_628 = tpu.memref_squeeze %dma_wait3A_627 : memref<1x256x128xf32, #tpu.memory_space<hbm>> -> memref<256x128xf32, #tpu.memory_space<hbm>>
    tpu.wait_dma2 semaphore(%arg15 : memref<!tpu.dma_semaphore, #tpu.memory_space<semaphore_mem>>) src(%arg10 : memref<256x128xf32, #tpu.memory_space<vmem>>) dst(%dma_wait3A_628 : memref<256x128xf32, #tpu.memory_space<hbm>>)
    return
  }
}

</mosaic_0001>

<sc_bundles>
// kernel: kernel.3.cloned.1.call-start
scs
__scs_entry_jumppad:
0x0: {  	(pc) =	sbr.rel $0x88, $3  }
0x1: {  	(tag) =	ssettag $0x0;
	lr =	simm.s32 $0x1  }
0x2: {  	[smem:$0x3F9C] =	sst lr;
	_ =	strace $0xD0000000  }
0x3: {  	_ = 	snop  }
0x4: {  	_ = 	snop  }
0x5: {  	_ = 	snop  }
0x6: {  	_ = 	snop  }
0x7: {  	_ = 	snop  }
__scs_overlays_trampoline_lowered:
0x8: {  	[smem:$0x3FAB] =	sst s0  }
0x9: {  	[smem:$0x3FAC] =	sst s1  }
0xa: {  	[smem:$0x3FAD] =	sst s2  }
0xb: {  	[smem:$0x3FAE] =	sst s3  }
0xc: {  	[smem:$0x3FAF] =	sst s4  }
0xd: {  	[smem:$0x3FB0] =	sst s5  }
0xe: {  	[smem:$0x3FB1] =	sst s6  }
0xf: {  	[smem:$0x3FB2] =	sst s7  }
0x10: {  	[smem:$0x3FB3] =	sst s8  }
0x11: {  	[smem:$0x3FB4] =	sst s9;
	s0 =	simm.s32 @!p0 $0x0  }
0x12: {  	s1 =	sld [smem:$0x3F9A];
	s0 =	simm.s32 @p0 $0x1  }
0x13: {  	[smem:$0x3FB5] =	sst s0;
	s0 =	simm.s32 @!p1 $0x0  }
0x14: {  	s2 =	sld [smem:$0x3F99];
	s0 =	simm.s32 @p1 $0x1  }
0x15: {  	[smem:$0x3FB6] =	sst s0;
	s0 =	simm.s32 @!p2 $0x0  }
0x16: {  	s3 =	sld [smem:$0x3FDB];
	s0 =	simm.s32 @p2 $0x1  }
0x17: {  	s4 =	simm.s32 $0x1BF5;
	[smem:$0x3FB8] =	sst s0  }
0x18: {  	s0 =	sld [smem:$0x3F9B];
	_ =	swait.ge [sflag:s4], $0x0  }
0x19: {  	s7 =	sld [smem:$0x3F9C]  }
0x1a: {  	s8 =	sadd.s32 $0xFFFFE003, lr  }
0x1b: {  	s9 =	sadd.s32 $0xFFFFFEF7, lr;
	s5 =	simm.s32 $0xFFFFFFFF;
	p2 =	slt.u32 s8, $0xFFFFF086  }
0x1c: {  	p1 =	slt.u32 s9, $0xF7A;
	s5 =	simm.s32 @!p2 $0x0  }
0x1d: {  	s5 =	simm.s32 @p1 $0x1;
	p0 =	seq.s32 s7, s2  }
0x1e: {  	s7 =	smul.u32 @!p0 $0xF7A, s2;
	p2 =	seq.s32 @!p0 s5, $0x0  }
0x1f: {  	s9 =	smul.u32 $0xF7A, s1;
	s8 =	simm.s32 @!p0 $0x1BF5;
	p2 =	por !p2, p0  }
0x20: {  	[sflag:s8] =	ssyncset.s32 @!p0 $0xFFFFF086;
	s6 =	sadd.s32 @!p0 s3, s7;
	s7 =	simm.s32 @!p0 $0x108  }
0x21: {  	s3 =	sadd.s32 s3, s9;
	s6 =	sadd.s32 @!p0 $0x88, s6;
	s7 =	simm.s32 @p2 $0x1082  }
0x22: {  	[simem:s7], [sflag:s8] =	dma.local @!p0 [hbm:s6], $0xF7A  }
0x23: {  	s9 =	sor.u32 $0xD0000000, s2;
	s6 =	simm.s32 $0x108;
	_ =	swait.ge @!p0 [sflag:s8], $0x0  }
0x24: {  	s3 =	sadd.s32 $0x88, s3;
	s6 =	simm.s32 @!p1 $0x1082;
	[sflag:s4] =	ssyncset.s32 $0xFFFFF086  }
0x25: {  	[simem:s6], [sflag:s4] =	dma.local [hbm:s3], $0xF7A  }
0x26: {  	[smem:$0x3F9C] =	sst s1;
	(tag) =	ssettag s2;
	_ =	strace s9  }
0x27: {  	s1 =	sld [smem:$0x3FAC]  }
0x28: {  	s2 =	sld [smem:$0x3FAD]  }
0x29: {  	s4 =	sld [smem:$0x3FAF]  }
0x2a: {  	p0 =	seq.s32 s5, $0x0;
	s5 =	sld [smem:$0x3FB0]  }
0x2b: {  	s6 =	sld [smem:$0x3FB1]  }
0x2c: {  	s7 =	sld [smem:$0x3FB2]  }
0x2d: {  	s3 =	simm.s32 $0x108;
	s8 =	sld [smem:$0x3FB3]  }
0x2e: {  	s3 =	simm.s32 @!p0 $0x1082;
	s9 =	sld [smem:$0x3FB4]  }
0x2f: {  	lr =	sadd.s32 s0, s3;
	s0 =	sld [smem:$0x3FAB]  }
0x30: {  	s3 =	sld [smem:$0x3FAE]  }
0x31: {  	[smem:$0x3FB7] =	sst s10  }
0x32: {  	s10 =	sld [smem:$0x3FB5];
	_ =	sdelay $0x3  }
0x33: {  	p0 =	seq.s32 s10, $0x1;
	s10 =	sld [smem:$0x3FB7];
	_ =	sdelay $0x3  }
0x34: {  	[smem:$0x3FB7] =	sst s10  }
0x35: {  	s10 =	sld [smem:$0x3FB6];
	_ =	sdelay $0x3  }
0x36: {  	p1 =	seq.s32 s10, $0x1;
	s10 =	sld [smem:$0x3FB7];
	_ =	sdelay $0x3  }
0x37: {  	[smem:$0x3FB7] =	sst s10  }
0x38: {  	s10 =	sld [smem:$0x3FB8]  }
0x39: {  	_ = 	snop;
	(pc) =	sbr.ind lr, $3  }
0x3a: {  	_ = 	snop  }
0x3b: {  	_ = 	snop  }
0x3c: {  	p2 =	seq.s32 s10, $0x1;
	s10 =	sld [smem:$0x3FB7]  }
0x3d: {  	_ =	shalt  }
0x3e: {  	_ =	shalt  }
0x3f: {  	_ =	shalt  }
0x40: {  	_ =	shalt  }
0x41: {  	_ =	shalt  }
0x42: {  	_ =	shalt  }
0x43: {  	_ =	shalt  }
0x44: {  	_ =	shalt  }
0x45: {  	_ =	shalt  }
0x46: {  	_ =	shalt  }
0x47: {  	_ =	shalt  }
0x48: {  	_ =	shalt  }
0x49: {  	_ =	shalt  }
0x4a: {  	_ =	shalt  }
0x4b: {  	_ =	shalt  }
0x4c: {  	_ =	shalt  }
0x4d: {  	_ =	shalt  }
0x4e: {  	_ =	shalt  }
0x4f: {  	_ =	shalt  }
0x50: {  	_ =	shalt  }
0x51: {  	_ =	shalt  }
0x52: {  	_ =	shalt  }
0x53: {  	_ =	shalt  }
0x54: {  	_ =	shalt  }
0x55: {  	_ =	shalt  }
0x56: {  	_ =	shalt  }
0x57: {  	_ =	shalt  }
0x58: {  	_ =	shalt  }
0x59: {  	_ =	shalt  }
0x5a: {  	_ =	shalt  }
0x5b: {  	_ =	shalt  }
0x5c: {  	_ =	shalt  }
0x5d: {  	_ =	shalt  }
0x5e: {  	_ =	shalt  }
0x5f: {  	_ =	shalt  }
0x60: {  	_ =	shalt  }
0x61: {  	_ =	shalt  }
0x62: {  	_ =	shalt  }
0x63: {  	_ =	shalt  }
0x64: {  	_ =	shalt  }
0x65: {  	_ =	shalt  }
0x66: {  	_ =	shalt  }
0x67: {  	_ =	shalt  }
0x68: {  	_ =	shalt  }
0x69: {  	_ =	shalt  }
0x6a: {  	_ =	shalt  }
0x6b: {  	_ =	shalt  }
0x6c: {  	_ =	shalt  }
0x6d: {  	_ =	shalt  }
0x6e: {  	_ =	shalt  }
0x6f: {  	_ =	shalt  }
0x70: {  	_ =	shalt  }
0x71: {  	_ =	shalt  }
0x72: {  	_ =	shalt  }
0x73: {  	_ =	shalt  }
0x74: {  	_ =	shalt  }
0x75: {  	_ =	shalt  }
0x76: {  	_ =	shalt  }
0x77: {  	_ =	shalt  }
0x78: {  	_ =	shalt  }
0x79: {  	_ =	shalt  }
0x7a: {  	_ =	shalt  }
0x7b: {  	_ =	shalt  }
0x7c: {  	_ =	shalt  }
0x7d: {  	_ =	shalt  }
0x7e: {  	_ =	shalt  }
0x7f: {  	_ =	shalt  }
0x80: {  	_ =	shalt  }
0x81: {  	_ =	shalt  }
0x82: {  	_ =	shalt  }
0x83: {  	_ =	shalt  }
0x84: {  	_ =	shalt  }
0x85: {  	_ =	shalt  }
0x86: {  	_ =	shalt  }
0x87: {  	_ =	shalt  }
.Lfunc_end0:
.L_simem_size_0:
called_computation_lowered:
.L_overlay_start_0:
0x88: {  	s2 =	sld [smem:$0x3FD9]  }
0x89: {  	s3 =	sld [smem:$0x3FFE];
	_ =	sdelay $0x1  }
0x8a: {  	s1 =	srdreg.scid  }
0x8b: {  	s0 =	sand.u32 $0x1, s1  }
0x8c: {  	s17 =	sshll.u32 s0, $0xA;
	s2 =	sadd.s32 s3, s2  }
0x8d: {  	s2 =	sadd.s32 s2, s17  }
0x8e: {  	[smem:$0x3FC3] =	sst s2  }
0x8f: {  	_ = 	snop  }
0x90: {  	s2 =	sld [smem:$0x3FC6]  }
0x91: {  	s18 =	sld [smem:$0x3FC5]  }
0x92: {  	s4 =	sld [smem:$0x3FD0];
	(tm) =	ssettm $0x1  }
0x93: {  	s5 =	sld [smem:$0x3FFB];
	_ =	sdelay $0x3  }
0x94: {  	_ =	strace s5  }
0x95: {  	s5 =	sld [smem:$0x3FFC];
	_ =	sdelay $0x3  }
0x96: {  	_ =	strace s5  }
0x97: {  	s5 =	sld [smem:$0x3FFD];
	_ =	sdelay $0x3  }
0x98: {  	_ =	strace s5  }
0x99: {  	_ =	strace $0x8FFFFFFF  }
0x9a: {  	s19 =	sld [smem:$0x3FDB];
	_ =	sdelay $0x1  }
0x9b: {  	s6 =	simm.s32 $_scs_section_size  }
0x9c: {  	s7 =	simm.s32 $_size__tile_overlayer_lowered;
	s8 =	simm.s32 $_tile_overlayer_lowered  }
0x9d: {  	s22 =	simm.s32 $0x1BFF;
	s21 =	sshll.u32 s8, $0x1;
	s5 =	sadd.s32 s6, s19  }
0x9e: {  	s9 =	simm.s32 $0x0;
	s20 =	sshll.u32 s7, $0x1;
	s7 =	sadd.s32 s21, s5  }
0x9f: {  	[timem:s9], [sflag:s22] =	dma.local [hbm:s7], s20  }
0xa0: {  	_ =	swait.ge [sflag:s22], s20  }
0xa1: {  	s6 =	ssub.s32 $0x0, s20;
	[sflag:s22] =	ssyncset.done $0x0  }
0xa2: {  	[sflag:s22] =	ssyncadd.s32 s6;
	_ =	sdelay $0x1  }
0xa3: {  	s23 =	simm.s32 $0x1B8B  }
0xa4: {  	_ =	swait.ge [sflag:s23], $0x1  }
0xa5: {  	[sflag:s23] =	ssyncset.done $0x0  }
0xa6: {  	s25 =	simm.s32 $0x1B8E;
	s24 =	sld [smem:$0x3FFE];
	[sflag:s23] =	ssyncadd.s32 $0xFFFFFFFF  }
0xa7: {  	s26 =	simm.s32 $execute0_lowered;
	[smem:$0x3FD2] =	sst s25  }
0xa8: {  	s7 =	sshll.u32 s26, $0x1;
	_ =	strace $0x80000046;
	[dreg:$0x1] =	wrdreg $0xFFFFFFFF  }
0xa9: {  	s28 =	simm.s32 $_size_execute0_lowered;
	s5 =	sadd.s32 s5, s7;
	[dreg:$0x0] =	wrdreg $0x0  }
0xaa: {  	s7 =	sshll.u32 s28, $0x1;
	[dreg:$0x2] =	wrdreg s5  }
0xab: {  	[dreg:$0x3] =	wrdreg s7  }
0xac: {  	[dreg:$0x4] =	wrdreg $0xC0  }
0xad: {  	_ =	task [dreg:s9], $0x5FFFF  }
0xae: {  	[dreg:$0x1] =	wrdreg $0xFFFFFFFF  }
0xaf: {  	[dreg:$0x0] =	wrdreg $0x60  }
0xb0: {  	[dreg:$0x2] =	wrdreg s24  }
0xb1: {  	[dreg:$0x3] =	wrdreg s2  }
0xb2: {  	[dreg:$0x4] =	wrdreg s18  }
0xb3: {  	[dreg:$0x5] =	wrdreg s4  }
0xb4: {  	[dreg:$0x6] =	wrdreg $0x9  }
0xb5: {  	_ =	task.clear_ibuf [dreg:s9], $0x7FFFF;
	_ =	strace $0x90000046  }
0xb6: {  	s29 =	simm.s32 $0x9;
	_ =	strace $0x80000048  }
0xb7: {  	_ =	swait.ge [sflag:s29], $0x1  }
0xb8: {  	[sflag:s29] =	ssyncadd.s32 $0xFFFFFFFF  }
0xb9: {  	_ =	strace $0x90000048  }
0xba: {  	_ =	sfence  }
0xbb: {  	s30 =	sld [smem:$0x0];
	_ =	sdelay $0x2  }
0xbc: {  	s31 =	sshll.u32 s1, $0xD;
	s1 =	sshrl.u32 s1, $0x2  }
0xbd: {  	s3 =	sand.u32 $0x4000, s31;
	s1 =	sadd.s32 s1, s30  }
0xbe: {  	s0 =	sor.u32 s3, s0;
	s1 =	sshll.u32 s1, $0x11  }
0xbf: {  	s0 =	sor.u32 s1, s0  }
0xc0: {  	s0 =	sadd.s32 $0x8F2B, s0  }
0xc1: {  	[sflag:s0] =	ssyncadd.remote.s32 $0x1  }
0xc2: {  	_ =	sfence.sel $0xFFFF  }
0xc3: {  	[dreg:$0x0] =	wrdreg $0xFFFFFFFF;
	(pc) =	sbr.abs _section_cstart, $3  }
0xc4: {  	[dreg:$0x1] =	wrdreg $0xFFFFFFFF  }
0xc5: {  	_ =	task.clear_ibuf [dreg:s9], $0x2FFFF;
	_ =	strace $0x9FFFFFFF  }
0xc6: {  	(tm) =	ssettm $0x7FFFFFFF  }
0xc7: {  	_ =	shalt  }
tec
execute0_lowered:
.L_overlay_start_1:
0x0: {  	(tag) =	ssettag $0x1  }
0x1: {  	s5 =	rddreg [dreg:$0x0]  }
0x2: {  	s1 =	rddreg [dreg:$0x1]  }
0x3: {  	s2 =	srdreg.scid;
	s3 =	rddreg [dreg:$0x2]  }
0x4: {  	s0 =	stileid.u32;
	s6 =	rddreg [dreg:$0x3]  }
0x5: {  	s4 =	simm.s32 $0x0;
	s13 =	simm.s32 $0x480;
	s2 =	sand.u32 $0x1, s2  }
0x6: {  	s7 =	sshll.u32 s0, $0xA;
	[smem:$0x7FF] =	sst s4;
	s8 =	sshll.u32 s2, $0x9  }
0x7: {  	s12 =	sadd.s32 $0x40000, s6;
	_ =	strace $0x80000047;
	s7 =	sor.u32 s8, s7  }
0x8: {  	[dreg:$0x13] =	wrdreg s13;
	s13 =	simm.s32 $0xA00;
	s8 =	sshll.u32 s7, $0x4  }
0x9: {  	s17 =	sadd.s32 $0x80000, s6;
	[smem:$0x7FC] =	sst s13;
	s10 =	sadd.s32 s6, s8  }
0xa: {  	s20 =	sadd.s32 $0xC0000, s6;
	s15 =	sadd.s32 s8, s12;
	[dreg:$0x5] =	wrdreg s10  }
0xb: {  	s23 =	sadd.s32 $0x100000, s6;
	s18 =	sadd.s32 s8, s17;
	[dreg:$0x7] =	wrdreg s15  }
0xc: {  	s26 =	sadd.s32 $0x140000, s6;
	s21 =	sadd.s32 s8, s20;
	[dreg:$0x9] =	wrdreg s18  }
0xd: {  	s9 =	sor.u32 $0x100, s7;
	s24 =	sadd.s32 s8, s23;
	[dreg:$0xb] =	wrdreg s21  }
0xe: {  	s11 =	sshll.u32 s9, $0x4;
	s0 =	sadd.s32 s8, s26;
	[dreg:$0xd] =	wrdreg s24  }
0xf: {  	s14 =	sadd.s32 s6, s11;
	[dreg:$0xf] =	wrdreg s0  }
0x10: {  	s16 =	sadd.s32 s11, s12;
	[dreg:$0x6] =	wrdreg s14  }
0x11: {  	s19 =	sadd.s32 s11, s17;
	[dreg:$0x8] =	wrdreg s16  }
0x12: {  	s22 =	sadd.s32 s11, s20;
	[dreg:$0xa] =	wrdreg s19  }
0x13: {  	s25 =	sadd.s32 s11, s23;
	[dreg:$0xc] =	wrdreg s22  }
0x14: {  	s12 =	sadd.s32 s11, s26;
	[dreg:$0xe] =	wrdreg s25  }
0x15: {  	s15 =	simm.s32 $0xC80;
	[dreg:$0x10] =	wrdreg s12  }
0x16: {  	s17 =	simm.s32 $0x500;
	[dreg:$0x15] =	wrdreg s15  }
0x17: {  	s20 =	simm.s32 $0xD00;
	[dreg:$0x17] =	wrdreg s17  }
0x18: {  	s21 =	simm.s32 $0x180;
	[dreg:$0x19] =	wrdreg s20  }
0x19: {  	s6 =	sadd.s32 $0x180000, s6;
	s23 =	simm.s32 $0x980;
	[dreg:$0x1a] =	wrdreg s21  }
0x1a: {  	s18 =	sadd.s32 $0x400, s5;
	s24 =	simm.s32 $0xD80;
	[dreg:$0x1c] =	wrdreg s23  }
0x1b: {  	s26 =	simm.s32 $0x600;
	s8 =	sadd.s32 s8, s6;
	[dreg:$0x1d] =	wrdreg s24  }
0x1c: {  	s6 =	sadd.s32 s11, s6;
	s5 =	sadd.s32 s18, s7;
	[dreg:$0x1f] =	wrdreg s26  }
0x1d: {  	s7 =	simm.s32 $0x20000;
	[dreg:$0x12] =	wrdreg s6;
	s6 =	simm.s32 $0x400  }
0x1e: {  	[tilespmem:s4], [sflag:$0x1] =	stream.strided.gather [hbm4b:s5+s6], $0x0, s7, s6, $0x38;
	[tilespmem:$0x19000] =	vst v63  }
0x1f: {  	s14 =	simm.s32 $0x880;
	[dreg:$0x11] =	wrdreg s8  }
0x20: {  	[tilespmem:s4], [sflag:$0x1] =	stream.linear.gather [hbm4b:s5+s4], $0x380, $0x38;
	[tilespmem:$0x19000] =	vst v63  }
0x21: {  	s16 =	simm.s32 $0x100;
	[dreg:$0x14] =	wrdreg s14;
	s8 =	sadd.s32 $0x80, s5  }
0x22: {  	[tilespmem:s6], [sflag:$0x1] =	stream.strided.gather [hbm4b:s8+s6], $0x0, s7, s6, $0x38;
	[tilespmem:$0x19000] =	vst v63  }
0x23: {  	s10 =	simm.s32 $0x800;
	s19 =	simm.s32 $0x900;
	[dreg:$0x16] =	wrdreg s16  }
0x24: {  	[tilespmem:s6], [sflag:$0x1] =	stream.linear.gather [hbm4b:s8+s4], $0x380, $0x38;
	[tilespmem:$0x19000] =	vst v63  }
0x25: {  	s22 =	simm.s32 $0x580;
	s9 =	sadd.s32 s18, s9;
	[dreg:$0x18] =	wrdreg s19  }
0x26: {  	[tilespmem:s10], [sflag:$0x1] =	stream.strided.gather [hbm4b:s9+s6], $0x0, s7, s6, $0x38;
	[tilespmem:$0x19000] =	vst v63  }
0x27: {  	s25 =	simm.s32 $0x200;
	s12 =	simm.s32 $0xC00;
	[dreg:$0x1b] =	wrdreg s22  }
0x28: {  	[tilespmem:s10], [sflag:$0x1] =	stream.linear.gather [hbm4b:s9+s4], $0x380, $0x38;
	[tilespmem:$0x19000] =	vst v63  }
0x29: {  	[dreg:$0x1e] =	wrdreg s25;
	s11 =	sadd.s32 $0x180, s5;
	s14 =	simm.s32 $0xE00  }
0x2a: {  	[tilespmem:s12], [sflag:$0x1] =	stream.strided.gather [hbm4b:s11+s6], $0x0, s7, s6, $0x38;
	[tilespmem:$0x19000] =	vst v63  }
0x2b: {  	s13 =	simm.s32 $0x1;
	[smem:$0x7FD] =	sst s14  }
0x2c: {  	[tilespmem:s12], [sflag:$0x1] =	stream.linear.gather [hbm4b:s11+s4], $0x380, $0x38;
	[tilespmem:$0x19000] =	vst v63  }
0x2d: {  	_ =	swait.ge [sflag:s13], $0x380  }
0x2e: {  	[sflag:s13] =	ssyncset.done $0x0  }
0x2f: {  	[sflag:s13] =	ssyncadd.s32 $0xFFFFFC80  }
0x30: {  	_ =	swait.ge [sflag:s13], $0x380  }
0x31: {  	[sflag:s13] =	ssyncset.done $0x0  }
0x32: {  	s15 =	simm.s32 $0x1000;
	s14 =	simm.s32 $0x80;
	[sflag:s13] =	ssyncadd.s32 $0xFFFFFC80  }
0x33: {  	[tilespmem:s15], [sflag:$0x2] =	stream.indirect.gather [hbm4b:s1+s14], $0x80, s4, s14, $0xb8;
	[tilespmem:$0x19000] =	vst v63  }
0x34: {  	s16 =	simm.s32 $0x5000  }
0x35: {  	[tilespmem:s16], [sflag:$0x2] =	stream.indirect.gather [hbm4b:s1+s14], $0x80, s6, s14, $0xb8;
	[tilespmem:$0x19000] =	vst v63  }
0x36: {  	_ =	swait.ge [sflag:s13], $0x380  }
0x37: {  	[sflag:s13] =	ssyncset.done $0x0  }
0x38: {  	[sflag:s13] =	ssyncadd.s32 $0xFFFFFC80  }
0x39: {  	_ =	swait.ge [sflag:s13], $0x380  }
0x3a: {  	[sflag:s13] =	ssyncset.done $0x0  }
0x3b: {  	s17 =	simm.s32 $0x9000;
	[sflag:s13] =	ssyncadd.s32 $0xFFFFFC80  }
0x3c: {  	[tilespmem:s17], [sflag:$0x2] =	stream.indirect.gather [hbm4b:s1+s14], $0x80, s10, s14, $0xb8;
	[tilespmem:$0x19000] =	vst v63  }
0x3d: {  	s18 =	simm.s32 $0xD000;
	s19 =	simm.s32 $0x2  }
0x3e: {  	[tilespmem:s18], [sflag:$0x2] =	stream.indirect.gather [hbm4b:s1+s14], $0x80, s12, s14, $0xb8;
	[tilespmem:$0x19000] =	vst v63  }
0x3f: {  	_ =	swait.ge [sflag:s19], $0x8000  }
0x40: {  	[sflag:s19] =	ssyncset.done $0x0  }
0x41: {  	s20 =	rddreg [dreg:$0x5];
	[sflag:s19] =	ssyncadd.s32 $0xFFFF8000  }
0x42: {  	[hbm4b:s20+s4] =	stream.linear.scatter [tilespmem:s15], [sflag:$0x3], $0x8000, $0x38;
	[tilespmem:$0x19000] =	vst v63  }
0x43: {  	s20 =	simm.s32 $0x11000  }
0x44: {  	[tilespmem:s20], [sflag:$0x2] =	stream.indirect.gather [hbm4b:s3+s14], $0x80, s14, s14, $0xb8;
	[tilespmem:$0x19000] =	vst v63  }
0x45: {  	s21 =	simm.s32 $0x15000;
	s22 =	rddreg [dreg:$0x13]  }
0x46: {  	[tilespmem:s21], [sflag:$0x2] =	stream.indirect.gather [hbm4b:s3+s14], $0x80, s22, s14, $0xb8;
	[tilespmem:$0x19000] =	vst v63  }
0x47: {  	_ =	swait.ge [sflag:s19], $0x8000  }
0x48: {  	[sflag:s19] =	ssyncset.done $0x0  }
0x49: {  	s22 =	simm.s32 $0x3;
	s23 =	rddreg [dreg:$0x6];
	[sflag:s19] =	ssyncadd.s32 $0xFFFF8000  }
0x4a: {  	[hbm4b:s23+s4] =	stream.linear.scatter [tilespmem:s17], [sflag:$0x3], $0x8000, $0x38;
	[tilespmem:$0x19000] =	vst v63  }
0x4b: {  	_ =	swait.ge [sflag:s22], $0x8000  }
0x4c: {  	[sflag:s22] =	ssyncset.done $0x0  }
0x4d: {  	s0 =	rddreg [dreg:$0x14];
	[sflag:s22] =	ssyncadd.s32 $0xFFFF8000  }
0x4e: {  	[tilespmem:s15], [sflag:$0x2] =	stream.indirect.gather [hbm4b:s3+s14], $0x80, s0, s14, $0xb8;
	[tilespmem:$0x19000] =	vst v63  }
0x4f: {  	s24 =	rddreg [dreg:$0x15]  }
0x50: {  	[tilespmem:s16], [sflag:$0x2] =	stream.indirect.gather [hbm4b:s3+s14], $0x80, s24, s14, $0xb8;
	[tilespmem:$0x19000] =	vst v63  }
0x51: {  	_ =	swait.ge [sflag:s19], $0x8000  }
0x52: {  	[sflag:s19] =	ssyncset.done $0x0  }
0x53: {  	s25 =	rddreg [dreg:$0x7];
	[sflag:s19] =	ssyncadd.s32 $0xFFFF8000  }
0x54: {  	[hbm4b:s25+s4] =	stream.linear.scatter [tilespmem:s20], [sflag:$0x3], $0x8000, $0x38;
	[tilespmem:$0x19000] =	vst v63  }
0x55: {  	_ =	swait.ge [sflag:s22], $0x8000  }
0x56: {  	[sflag:s22] =	ssyncset.done $0x0  }
0x57: {  	s26 =	rddreg [dreg:$0x16];
	[sflag:s22] =	ssyncadd.s32 $0xFFFF8000  }
0x58: {  	[tilespmem:s17], [sflag:$0x2] =	stream.indirect.gather [hbm4b:s3+s14], $0x80, s26, s14, $0xb8;
	[tilespmem:$0x19000] =	vst v63  }
0x59: {  	s0 =	rddreg [dreg:$0x17]  }
0x5a: {  	[tilespmem:s18], [sflag:$0x2] =	stream.indirect.gather [hbm4b:s3+s14], $0x80, s0, s14, $0xb8;
	[tilespmem:$0x19000] =	vst v63  }
0x5b: {  	_ =	swait.ge [sflag:s19], $0x8000  }
0x5c: {  	[sflag:s19] =	ssyncset.done $0x0  }
0x5d: {  	s25 =	rddreg [dreg:$0x8];
	[sflag:s19] =	ssyncadd.s32 $0xFFFF8000  }
0x5e: {  	[hbm4b:s25+s4] =	stream.linear.scatter [tilespmem:s15], [sflag:$0x3], $0x8000, $0x38;
	[tilespmem:$0x19000] =	vst v63  }
0x5f: {  	_ =	swait.ge [sflag:s22], $0x8000  }
0x60: {  	[sflag:s22] =	ssyncset.done $0x0  }
0x61: {  	s26 =	rddreg [dreg:$0x18];
	[sflag:s22] =	ssyncadd.s32 $0xFFFF8000  }
0x62: {  	[tilespmem:s20], [sflag:$0x2] =	stream.indirect.gather [hbm4b:s3+s14], $0x80, s26, s14, $0xb8;
	[tilespmem:$0x19000] =	vst v63  }
0x63: {  	s0 =	rddreg [dreg:$0x19]  }
0x64: {  	[tilespmem:s21], [sflag:$0x2] =	stream.indirect.gather [hbm4b:s3+s14], $0x80, s0, s14, $0xb8;
	[tilespmem:$0x19000] =	vst v63  }
0x65: {  	_ =	swait.ge [sflag:s19], $0x8000  }
0x66: {  	[sflag:s19] =	ssyncset.done $0x0  }
0x67: {  	s25 =	rddreg [dreg:$0x9];
	[sflag:s19] =	ssyncadd.s32 $0xFFFF8000  }
0x68: {  	[hbm4b:s25+s4] =	stream.linear.scatter [tilespmem:s17], [sflag:$0x3], $0x8000, $0x38;
	[tilespmem:$0x19000] =	vst v63  }
0x69: {  	_ =	swait.ge [sflag:s22], $0x8000  }
0x6a: {  	[sflag:s22] =	ssyncset.done $0x0  }
0x6b: {  	s26 =	rddreg [dreg:$0x1a];
	[sflag:s22] =	ssyncadd.s32 $0xFFFF8000  }
0x6c: {  	[tilespmem:s15], [sflag:$0x2] =	stream.indirect.gather [hbm4b:s3+s14], $0x80, s26, s14, $0xb8;
	[tilespmem:$0x19000] =	vst v63  }
0x6d: {  	s0 =	rddreg [dreg:$0x1b]  }
0x6e: {  	[tilespmem:s16], [sflag:$0x2] =	stream.indirect.gather [hbm4b:s3+s14], $0x80, s0, s14, $0xb8;
	[tilespmem:$0x19000] =	vst v63  }
0x6f: {  	_ =	swait.ge [sflag:s19], $0x8000  }
0x70: {  	[sflag:s19] =	ssyncset.done $0x0  }
0x71: {  	s25 =	rddreg [dreg:$0xa];
	[sflag:s19] =	ssyncadd.s32 $0xFFFF8000  }
0x72: {  	[hbm4b:s25+s4] =	stream.linear.scatter [tilespmem:s20], [sflag:$0x3], $0x8000, $0x38;
	[tilespmem:$0x19000] =	vst v63  }
0x73: {  	_ =	swait.ge [sflag:s22], $0x8000  }
0x74: {  	[sflag:s22] =	ssyncset.done $0x0  }
0x75: {  	s26 =	rddreg [dreg:$0x1c];
	[sflag:s22] =	ssyncadd.s32 $0xFFFF8000  }
0x76: {  	[tilespmem:s17], [sflag:$0x2] =	stream.indirect.gather [hbm4b:s3+s14], $0x80, s26, s14, $0xb8;
	[tilespmem:$0x19000] =	vst v63  }
0x77: {  	s0 =	rddreg [dreg:$0x1d]  }
0x78: {  	[tilespmem:s18], [sflag:$0x2] =	stream.indirect.gather [hbm4b:s3+s14], $0x80, s0, s14, $0xb8;
	[tilespmem:$0x19000] =	vst v63  }
0x79: {  	_ =	swait.ge [sflag:s19], $0x8000  }
0x7a: {  	[sflag:s19] =	ssyncset.done $0x0  }
0x7b: {  	s25 =	rddreg [dreg:$0xb];
	[sflag:s19] =	ssyncadd.s32 $0xFFFF8000  }
0x7c: {  	[hbm4b:s25+s4] =	stream.linear.scatter [tilespmem:s15], [sflag:$0x3], $0x8000, $0x38;
	[tilespmem:$0x19000] =	vst v63  }
0x7d: {  	_ =	swait.ge [sflag:s22], $0x8000  }
0x7e: {  	[sflag:s22] =	ssyncset.done $0x0  }
0x7f: {  	s26 =	rddreg [dreg:$0x1e];
	[sflag:s22] =	ssyncadd.s32 $0xFFFF8000  }
0x80: {  	[tilespmem:s20], [sflag:$0x2] =	stream.indirect.gather [hbm4b:s3+s14], $0x80, s26, s14, $0xb8;
	[tilespmem:$0x19000] =	vst v63  }
0x81: {  	s0 =	rddreg [dreg:$0x1f]  }
0x82: {  	[tilespmem:s21], [sflag:$0x2] =	stream.indirect.gather [hbm4b:s3+s14], $0x80, s0, s14, $0xb8;
	[tilespmem:$0x19000] =	vst v63  }
0x83: {  	_ =	swait.ge [sflag:s19], $0x8000  }
0x84: {  	[sflag:s19] =	ssyncset.done $0x0  }
0x85: {  	s25 =	rddreg [dreg:$0xc];
	[sflag:s19] =	ssyncadd.s32 $0xFFFF8000  }
0x86: {  	[hbm4b:s25+s4] =	stream.linear.scatter [tilespmem:s17], [sflag:$0x3], $0x8000, $0x38;
	[tilespmem:$0x19000] =	vst v63  }
0x87: {  	_ =	swait.ge [sflag:s22], $0x8000  }
0x88: {  	s26 =	sld [smem:$0x7FC]  }
0x89: {  	[sflag:s22] =	ssyncset.done $0x0  }
0x8a: {  	s0 =	sld [smem:$0x7FD];
	[sflag:s22] =	ssyncadd.s32 $0xFFFF8000  }
0x8b: {  	[tilespmem:s15], [sflag:$0x2] =	stream.indirect.gather [hbm4b:s3+s14], $0x80, s26, s14, $0xb8;
	[tilespmem:$0x19000] =	vst v63  }
0x8c: {  	_ = 	snop  }
0x8d: {  	[tilespmem:s16], [sflag:$0x2] =	stream.indirect.gather [hbm4b:s3+s14], $0x80, s0, s14, $0xb8;
	[tilespmem:$0x19000] =	vst v63  }
0x8e: {  	_ =	swait.ge [sflag:s19], $0x8000  }
0x8f: {  	[sflag:s19] =	ssyncset.done $0x0  }
0x90: {  	s25 =	rddreg [dreg:$0xd];
	[sflag:s19] =	ssyncadd.s32 $0xFFFF8000  }
0x91: {  	[hbm4b:s25+s4] =	stream.linear.scatter [tilespmem:s20], [sflag:$0x3], $0x8000, $0x38;
	[tilespmem:$0x19000] =	vst v63  }
0x92: {  	_ =	swait.ge [sflag:s22], $0x8000  }
0x93: {  	[sflag:s22] =	ssyncset.done $0x0  }
0x94: {  	s26 =	simm.s32 $0x280;
	[sflag:s22] =	ssyncadd.s32 $0xFFFF8000  }
0x95: {  	[tilespmem:s17], [sflag:$0x2] =	stream.indirect.gather [hbm4b:s3+s14], $0x80, s26, s14, $0xb8;
	[tilespmem:$0x19000] =	vst v63  }
0x96: {  	s24 =	simm.s32 $0x680  }
0x97: {  	[tilespmem:s18], [sflag:$0x2] =	stream.indirect.gather [hbm4b:s3+s14], $0x80, s24, s14, $0xb8;
	[tilespmem:$0x19000] =	vst v63  }
0x98: {  	_ =	swait.ge [sflag:s19], $0x8000  }
0x99: {  	[sflag:s19] =	ssyncset.done $0x0  }
0x9a: {  	s25 =	rddreg [dreg:$0xe];
	[sflag:s19] =	ssyncadd.s32 $0xFFFF8000  }
0x9b: {  	[hbm4b:s25+s4] =	stream.linear.scatter [tilespmem:s15], [sflag:$0x3], $0x8000, $0x38;
	[tilespmem:$0x19000] =	vst v63  }
0x9c: {  	_ =	swait.ge [sflag:s22], $0x8000  }
0x9d: {  	[sflag:s22] =	ssyncset.done $0x0  }
0x9e: {  	s25 =	simm.s32 $0xA80;
	[sflag:s22] =	ssyncadd.s32 $0xFFFF8000  }
0x9f: {  	[tilespmem:s20], [sflag:$0x2] =	stream.indirect.gather [hbm4b:s3+s14], $0x80, s25, s14, $0xb8;
	[tilespmem:$0x19000] =	vst v63  }
0xa0: {  	s26 =	simm.s32 $0xE80  }
0xa1: {  	[tilespmem:s21], [sflag:$0x2] =	stream.indirect.gather [hbm4b:s3+s14], $0x80, s26, s14, $0xb8;
	[tilespmem:$0x19000] =	vst v63  }
0xa2: {  	_ =	swait.ge [sflag:s19], $0x8000  }
0xa3: {  	[sflag:s19] =	ssyncset.done $0x0  }
0xa4: {  	s28 =	rddreg [dreg:$0xf];
	[sflag:s19] =	ssyncadd.s32 $0xFFFF8000  }
0xa5: {  	[hbm4b:s28+s4] =	stream.linear.scatter [tilespmem:s17], [sflag:$0x3], $0x8000, $0x38;
	[tilespmem:$0x19000] =	vst v63  }
0xa6: {  	_ =	swait.ge [sflag:s22], $0x8000  }
0xa7: {  	[sflag:s22] =	ssyncset.done $0x0  }
0xa8: {  	s28 =	simm.s32 $0x300;
	[sflag:s22] =	ssyncadd.s32 $0xFFFF8000  }
0xa9: {  	[tilespmem:s15], [sflag:$0x2] =	stream.indirect.gather [hbm4b:s3+s14], $0x80, s28, s14, $0xb8;
	[tilespmem:$0x19000] =	vst v63  }
0xaa: {  	s29 =	simm.s32 $0x700  }
0xab: {  	[tilespmem:s16], [sflag:$0x2] =	stream.indirect.gather [hbm4b:s3+s14], $0x80, s29, s14, $0xb8;
	[tilespmem:$0x19000] =	vst v63  }
0xac: {  	_ =	swait.ge [sflag:s19], $0x8000  }
0xad: {  	[sflag:s19] =	ssyncset.done $0x0  }
0xae: {  	s30 =	rddreg [dreg:$0x10];
	[sflag:s19] =	ssyncadd.s32 $0xFFFF8000  }
0xaf: {  	[hbm4b:s30+s4] =	stream.linear.scatter [tilespmem:s20], [sflag:$0x3], $0x8000, $0x38;
	[tilespmem:$0x19000] =	vst v63  }
0xb0: {  	_ =	swait.ge [sflag:s22], $0x8000  }
0xb1: {  	[sflag:s22] =	ssyncset.done $0x0  }
0xb2: {  	s30 =	simm.s32 $0xB00;
	[sflag:s22] =	ssyncadd.s32 $0xFFFF8000  }
0xb3: {  	[tilespmem:s17], [sflag:$0x2] =	stream.indirect.gather [hbm4b:s3+s14], $0x80, s30, s14, $0xb8;
	[tilespmem:$0x19000] =	vst v63  }
0xb4: {  	s31 =	simm.s32 $0xF00  }
0xb5: {  	[tilespmem:s18], [sflag:$0x2] =	stream.indirect.gather [hbm4b:s3+s14], $0x80, s31, s14, $0xb8;
	[tilespmem:$0x19000] =	vst v63  }
0xb6: {  	_ =	swait.ge [sflag:s19], $0x8000  }
0xb7: {  	[sflag:s19] =	ssyncset.done $0x0  }
0xb8: {  	s23 =	rddreg [dreg:$0x11];
	[sflag:s19] =	ssyncadd.s32 $0xFFFF8000  }
0xb9: {  	[hbm4b:s23+s4] =	stream.linear.scatter [tilespmem:s15], [sflag:$0x3], $0x8000, $0x38;
	[tilespmem:$0x19000] =	vst v63  }
0xba: {  	_ =	swait.ge [sflag:s19], $0x8000  }
0xbb: {  	[sflag:s19] =	ssyncset.done $0x0  }
0xbc: {  	s23 =	rddreg [dreg:$0x12];
	[sflag:s19] =	ssyncadd.s32 $0xFFFF8000  }
0xbd: {  	[hbm4b:s23+s4] =	stream.linear.scatter [tilespmem:s17], [sflag:$0x3], $0x8000, $0x38;
	[tilespmem:$0x19000] =	vst v63  }
0xbe: {  	s23 =	ssub.s32 $0x2, s2  }
0xbf: {  	s2 =	sshrl.u32 s23, $0x1  }
0xc0: {  	_ =	swait.ge [sflag:s22], $0x8000;
	s0 =	ssub.s32 s23, s2  }
0xc1: {  	[sflag:s22] =	ssyncset.done $0x0;
	s0 =	smax.u32 s0, $0x1  }
0xc2: {  	[sflag:s22] =	ssyncadd.s32 $0xFFFF8000;
	p0 =	sne.s32 s0, $0x1  }
.Ltmp0:
0xc3: {  	_ =	swait.ge [sflag:s22], $0x8000;
	(pc) =	sbr.rel @!p0 .LBB2_2-.Ltmp0, $4  }
0xc4: {  	[sflag:s22] =	ssyncset.done $0x0  }
0xc5: {  	[sflag:s22] =	ssyncadd.s32 $0xFFFF8000  }
0xc6: {  	_ =	swait.ge [sflag:s22], $0x8000  }
0xc7: {  	s2 =	sadd.s32 $0xFFFFFFFF, s0;
	[sflag:s22] =	ssyncset.done $0x0  }
.LBB2_1:
0xc8: {  	[sflag:s22] =	ssyncadd.s32 $0xFFFF8000  }
0xc9: {  	[tilespmem:s4], [sflag:$0x1] =	stream.strided.gather [hbm4b:s5+s6], $0x0, s7, s6, $0x38;
	[tilespmem:$0x19000] =	vst v63  }
0xca: {  	_ = 	snop  }
0xcb: {  	[tilespmem:s4], [sflag:$0x1] =	stream.linear.gather [hbm4b:s5+s4], $0x380, $0x38;
	[tilespmem:$0x19000] =	vst v63  }
0xcc: {  	_ = 	snop  }
0xcd: {  	[tilespmem:s6], [sflag:$0x1] =	stream.strided.gather [hbm4b:s8+s6], $0x0, s7, s6, $0x38;
	[tilespmem:$0x19000] =	vst v63  }
0xce: {  	_ = 	snop  }
0xcf: {  	[tilespmem:s6], [sflag:$0x1] =	stream.linear.gather [hbm4b:s8+s4], $0x380, $0x38;
	[tilespmem:$0x19000] =	vst v63  }
0xd0: {  	_ = 	snop  }
0xd1: {  	[tilespmem:s10], [sflag:$0x1] =	stream.strided.gather [hbm4b:s9+s6], $0x0, s7, s6, $0x38;
	[tilespmem:$0x19000] =	vst v63  }
0xd2: {  	_ = 	snop  }
0xd3: {  	[tilespmem:s10], [sflag:$0x1] =	stream.linear.gather [hbm4b:s9+s4], $0x380, $0x38;
	[tilespmem:$0x19000] =	vst v63  }
0xd4: {  	_ = 	snop  }
0xd5: {  	[tilespmem:s12], [sflag:$0x1] =	stream.strided.gather [hbm4b:s11+s6], $0x0, s7, s6, $0x38;
	[tilespmem:$0x19000] =	vst v63  }
0xd6: {  	_ = 	snop  }
0xd7: {  	[tilespmem:s12], [sflag:$0x1] =	stream.linear.gather [hbm4b:s11+s4], $0x380, $0x38;
	[tilespmem:$0x19000] =	vst v63  }
0xd8: {  	_ =	swait.ge [sflag:s13], $0x380  }
0xd9: {  	[sflag:s13] =	ssyncset.done $0x0  }
0xda: {  	[sflag:s13] =	ssyncadd.s32 $0xFFFFFC80  }
0xdb: {  	_ =	swait.ge [sflag:s13], $0x380  }
0xdc: {  	[sflag:s13] =	ssyncset.done $0x0  }
0xdd: {  	[sflag:s13] =	ssyncadd.s32 $0xFFFFFC80  }
0xde: {  	[tilespmem:s15], [sflag:$0x2] =	stream.indirect.gather [hbm4b:s1+s14], $0x80, s4, s14, $0xb8;
	[tilespmem:$0x19000] =	vst v63  }
0xdf: {  	_ = 	snop  }
0xe0: {  	[tilespmem:s16], [sflag:$0x2] =	stream.indirect.gather [hbm4b:s1+s14], $0x80, s6, s14, $0xb8;
	[tilespmem:$0x19000] =	vst v63  }
0xe1: {  	_ =	swait.ge [sflag:s13], $0x380  }
0xe2: {  	[sflag:s13] =	ssyncset.done $0x0  }
0xe3: {  	[sflag:s13] =	ssyncadd.s32 $0xFFFFFC80  }
0xe4: {  	_ =	swait.ge [sflag:s13], $0x380  }
0xe5: {  	[sflag:s13] =	ssyncset.done $0x0  }
0xe6: {  	[sflag:s13] =	ssyncadd.s32 $0xFFFFFC80  }
0xe7: {  	[tilespmem:s17], [sflag:$0x2] =	stream.indirect.gather [hbm4b:s1+s14], $0x80, s10, s14, $0xb8;
	[tilespmem:$0x19000] =	vst v63  }
0xe8: {  	_ = 	snop  }
0xe9: {  	[tilespmem:s18], [sflag:$0x2] =	stream.indirect.gather [hbm4b:s1+s14], $0x80, s12, s14, $0xb8;
	[tilespmem:$0x19000] =	vst v63  }
0xea: {  	_ =	swait.ge [sflag:s19], $0x8000  }
0xeb: {  	[sflag:s19] =	ssyncset.done $0x0  }
0xec: {  	s0 =	rddreg [dreg:$0x5];
	[sflag:s19] =	ssyncadd.s32 $0xFFFF8000  }
0xed: {  	[hbm4b:s0+s4] =	stream.linear.scatter [tilespmem:s15], [sflag:$0x3], $0x8000, $0x38;
	[tilespmem:$0x19000] =	vst v63  }
0xee: {  	_ = 	snop  }
0xef: {  	[tilespmem:s20], [sflag:$0x2] =	stream.indirect.gather [hbm4b:s3+s14], $0x80, s14, s14, $0xb8;
	[tilespmem:$0x19000] =	vst v63  }
0xf0: {  	s23 =	rddreg [dreg:$0x13]  }
0xf1: {  	[tilespmem:s21], [sflag:$0x2] =	stream.indirect.gather [hbm4b:s3+s14], $0x80, s23, s14, $0xb8;
	[tilespmem:$0x19000] =	vst v63  }
0xf2: {  	_ =	swait.ge [sflag:s19], $0x8000  }
0xf3: {  	[sflag:s19] =	ssyncset.done $0x0  }
0xf4: {  	s23 =	rddreg [dreg:$0x6];
	[sflag:s19] =	ssyncadd.s32 $0xFFFF8000  }
0xf5: {  	[hbm4b:s23+s4] =	stream.linear.scatter [tilespmem:s17], [sflag:$0x3], $0x8000, $0x38;
	[tilespmem:$0x19000] =	vst v63  }
0xf6: {  	_ =	swait.ge [sflag:s22], $0x8000  }
0xf7: {  	[sflag:s22] =	ssyncset.done $0x0  }
0xf8: {  	s0 =	rddreg [dreg:$0x14];
	[sflag:s22] =	ssyncadd.s32 $0xFFFF8000  }
0xf9: {  	[tilespmem:s15], [sflag:$0x2] =	stream.indirect.gather [hbm4b:s3+s14], $0x80, s0, s14, $0xb8;
	[tilespmem:$0x19000] =	vst v63  }
0xfa: {  	s23 =	rddreg [dreg:$0x15]  }
0xfb: {  	[tilespmem:s16], [sflag:$0x2] =	stream.indirect.gather [hbm4b:s3+s14], $0x80, s23, s14, $0xb8;
	[tilespmem:$0x19000] =	vst v63  }
0xfc: {  	_ =	swait.ge [sflag:s19], $0x8000  }
0xfd: {  	[sflag:s19] =	ssyncset.done $0x0  }
0xfe: {  	s23 =	rddreg [dreg:$0x7];
	[sflag:s19] =	ssyncadd.s32 $0xFFFF8000  }
0xff: {  	[hbm4b:s23+s4] =	stream.linear.scatter [tilespmem:s20], [sflag:$0x3], $0x8000, $0x38;
	[tilespmem:$0x19000] =	vst v63  }
0x100: {  	_ =	swait.ge [sflag:s22], $0x8000  }
0x101: {  	[sflag:s22] =	ssyncset.done $0x0  }
0x102: {  	s0 =	rddreg [dreg:$0x16];
	[sflag:s22] =	ssyncadd.s32 $0xFFFF8000  }
0x103: {  	[tilespmem:s17], [sflag:$0x2] =	stream.indirect.gather [hbm4b:s3+s14], $0x80, s0, s14, $0xb8;
	[tilespmem:$0x19000] =	vst v63  }
0x104: {  	s23 =	rddreg [dreg:$0x17]  }
0x105: {  	[tilespmem:s18], [sflag:$0x2] =	stream.indirect.gather [hbm4b:s3+s14], $0x80, s23, s14, $0xb8;
	[tilespmem:$0x19000] =	vst v63  }
0x106: {  	_ =	swait.ge [sflag:s19], $0x8000  }
0x107: {  	[sflag:s19] =	ssyncset.done $0x0  }
0x108: {  	s23 =	rddreg [dreg:$0x8];
	[sflag:s19] =	ssyncadd.s32 $0xFFFF8000  }
0x109: {  	[hbm4b:s23+s4] =	stream.linear.scatter [tilespmem:s15], [sflag:$0x3], $0x8000, $0x38;
	[tilespmem:$0x19000] =	vst v63  }
0x10a: {  	_ =	swait.ge [sflag:s22], $0x8000  }
0x10b: {  	[sflag:s22] =	ssyncset.done $0x0  }
0x10c: {  	s0 =	rddreg [dreg:$0x18];
	[sflag:s22] =	ssyncadd.s32 $0xFFFF8000  }
0x10d: {  	[tilespmem:s20], [sflag:$0x2] =	stream.indirect.gather [hbm4b:s3+s14], $0x80, s0, s14, $0xb8;
	[tilespmem:$0x19000] =	vst v63  }
0x10e: {  	s23 =	rddreg [dreg:$0x19]  }
0x10f: {  	[tilespmem:s21], [sflag:$0x2] =	stream.indirect.gather [hbm4b:s3+s14], $0x80, s23, s14, $0xb8;
	[tilespmem:$0x19000] =	vst v63  }
0x110: {  	_ =	swait.ge [sflag:s19], $0x8000  }
0x111: {  	[sflag:s19] =	ssyncset.done $0x0  }
0x112: {  	s23 =	rddreg [dreg:$0x9];
	[sflag:s19] =	ssyncadd.s32 $0xFFFF8000  }
0x113: {  	[hbm4b:s23+s4] =	stream.linear.scatter [tilespmem:s17], [sflag:$0x3], $0x8000, $0x38;
	[tilespmem:$0x19000] =	vst v63  }
0x114: {  	_ =	swait.ge [sflag:s22], $0x8000  }
0x115: {  	[sflag:s22] =	ssyncset.done $0x0  }
0x116: {  	s0 =	rddreg [dreg:$0x1a];
	[sflag:s22] =	ssyncadd.s32 $0xFFFF8000  }
0x117: {  	[tilespmem:s15], [sflag:$0x2] =	stream.indirect.gather [hbm4b:s3+s14], $0x80, s0, s14, $0xb8;
	[tilespmem:$0x19000] =	vst v63  }
0x118: {  	s23 =	rddreg [dreg:$0x1b]  }
0x119: {  	[tilespmem:s16], [sflag:$0x2] =	stream.indirect.gather [hbm4b:s3+s14], $0x80, s23, s14, $0xb8;
	[tilespmem:$0x19000] =	vst v63  }
0x11a: {  	_ =	swait.ge [sflag:s19], $0x8000  }
0x11b: {  	[sflag:s19] =	ssyncset.done $0x0  }
0x11c: {  	s23 =	rddreg [dreg:$0xa];
	[sflag:s19] =	ssyncadd.s32 $0xFFFF8000  }
0x11d: {  	[hbm4b:s23+s4] =	stream.linear.scatter [tilespmem:s20], [sflag:$0x3], $0x8000, $0x38;
	[tilespmem:$0x19000] =	vst v63  }
0x11e: {  	_ =	swait.ge [sflag:s22], $0x8000  }
0x11f: {  	[sflag:s22] =	ssyncset.done $0x0  }
0x120: {  	s0 =	rddreg [dreg:$0x1c];
	[sflag:s22] =	ssyncadd.s32 $0xFFFF8000  }
0x121: {  	[tilespmem:s17], [sflag:$0x2] =	stream.indirect.gather [hbm4b:s3+s14], $0x80, s0, s14, $0xb8;
	[tilespmem:$0x19000] =	vst v63  }
0x122: {  	s23 =	rddreg [dreg:$0x1d]  }
0x123: {  	[tilespmem:s18], [sflag:$0x2] =	stream.indirect.gather [hbm4b:s3+s14], $0x80, s23, s14, $0xb8;
	[tilespmem:$0x19000] =	vst v63  }
0x124: {  	_ =	swait.ge [sflag:s19], $0x8000  }
0x125: {  	[sflag:s19] =	ssyncset.done $0x0  }
0x126: {  	s23 =	rddreg [dreg:$0xb];
	[sflag:s19] =	ssyncadd.s32 $0xFFFF8000  }
0x127: {  	[hbm4b:s23+s4] =	stream.linear.scatter [tilespmem:s15], [sflag:$0x3], $0x8000, $0x38;
	[tilespmem:$0x19000] =	vst v63  }
0x128: {  	_ =	swait.ge [sflag:s22], $0x8000  }
0x129: {  	[sflag:s22] =	ssyncset.done $0x0  }
0x12a: {  	s0 =	rddreg [dreg:$0x1e];
	[sflag:s22] =	ssyncadd.s32 $0xFFFF8000  }
0x12b: {  	[tilespmem:s20], [sflag:$0x2] =	stream.indirect.gather [hbm4b:s3+s14], $0x80, s0, s14, $0xb8;
	[tilespmem:$0x19000] =	vst v63  }
0x12c: {  	s23 =	rddreg [dreg:$0x1f]  }
0x12d: {  	[tilespmem:s21], [sflag:$0x2] =	stream.indirect.gather [hbm4b:s3+s14], $0x80, s23, s14, $0xb8;
	[tilespmem:$0x19000] =	vst v63  }
0x12e: {  	_ =	swait.ge [sflag:s19], $0x8000  }
0x12f: {  	[sflag:s19] =	ssyncset.done $0x0  }
0x130: {  	s23 =	rddreg [dreg:$0xc];
	[sflag:s19] =	ssyncadd.s32 $0xFFFF8000  }
0x131: {  	[hbm4b:s23+s4] =	stream.linear.scatter [tilespmem:s17], [sflag:$0x3], $0x8000, $0x38;
	[tilespmem:$0x19000] =	vst v63  }
0x132: {  	_ =	swait.ge [sflag:s22], $0x8000  }
0x133: {  	s0 =	sld [smem:$0x7FC]  }
0x134: {  	[sflag:s22] =	ssyncset.done $0x0  }
0x135: {  	s23 =	sld [smem:$0x7FD];
	[sflag:s22] =	ssyncadd.s32 $0xFFFF8000  }
0x136: {  	[tilespmem:s15], [sflag:$0x2] =	stream.indirect.gather [hbm4b:s3+s14], $0x80, s0, s14, $0xb8;
	[tilespmem:$0x19000] =	vst v63  }
0x137: {  	_ = 	snop  }
0x138: {  	[tilespmem:s16], [sflag:$0x2] =	stream.indirect.gather [hbm4b:s3+s14], $0x80, s23, s14, $0xb8;
	[tilespmem:$0x19000] =	vst v63  }
0x139: {  	_ =	swait.ge [sflag:s19], $0x8000  }
0x13a: {  	[sflag:s19] =	ssyncset.done $0x0  }
0x13b: {  	s23 =	rddreg [dreg:$0xd];
	[sflag:s19] =	ssyncadd.s32 $0xFFFF8000  }
0x13c: {  	[hbm4b:s23+s4] =	stream.linear.scatter [tilespmem:s20], [sflag:$0x3], $0x8000, $0x38;
	[tilespmem:$0x19000] =	vst v63  }
0x13d: {  	_ =	swait.ge [sflag:s22], $0x8000  }
0x13e: {  	[sflag:s22] =	ssyncset.done $0x0  }
0x13f: {  	s23 =	simm.s32 $0x280;
	[sflag:s22] =	ssyncadd.s32 $0xFFFF8000  }
0x140: {  	[tilespmem:s17], [sflag:$0x2] =	stream.indirect.gather [hbm4b:s3+s14], $0x80, s23, s14, $0xb8;
	[tilespmem:$0x19000] =	vst v63  }
0x141: {  	_ = 	snop  }
0x142: {  	[tilespmem:s18], [sflag:$0x2] =	stream.indirect.gather [hbm4b:s3+s14], $0x80, s24, s14, $0xb8;
	[tilespmem:$0x19000] =	vst v63  }
0x143: {  	_ =	swait.ge [sflag:s19], $0x8000  }
0x144: {  	[sflag:s19] =	ssyncset.done $0x0  }
0x145: {  	s23 =	rddreg [dreg:$0xe];
	[sflag:s19] =	ssyncadd.s32 $0xFFFF8000  }
0x146: {  	[hbm4b:s23+s4] =	stream.linear.scatter [tilespmem:s15], [sflag:$0x3], $0x8000, $0x38;
	[tilespmem:$0x19000] =	vst v63  }
0x147: {  	_ =	swait.ge [sflag:s22], $0x8000  }
0x148: {  	[sflag:s22] =	ssyncset.done $0x0  }
0x149: {  	[sflag:s22] =	ssyncadd.s32 $0xFFFF8000  }
0x14a: {  	[tilespmem:s20], [sflag:$0x2] =	stream.indirect.gather [hbm4b:s3+s14], $0x80, s25, s14, $0xb8;
	[tilespmem:$0x19000] =	vst v63  }
0x14b: {  	_ = 	snop  }
0x14c: {  	[tilespmem:s21], [sflag:$0x2] =	stream.indirect.gather [hbm4b:s3+s14], $0x80, s26, s14, $0xb8;
	[tilespmem:$0x19000] =	vst v63  }
0x14d: {  	_ =	swait.ge [sflag:s19], $0x8000  }
0x14e: {  	[sflag:s19] =	ssyncset.done $0x0  }
0x14f: {  	s23 =	rddreg [dreg:$0xf];
	[sflag:s19] =	ssyncadd.s32 $0xFFFF8000  }
0x150: {  	[hbm4b:s23+s4] =	stream.linear.scatter [tilespmem:s17], [sflag:$0x3], $0x8000, $0x38;
	[tilespmem:$0x19000] =	vst v63  }
0x151: {  	_ =	swait.ge [sflag:s22], $0x8000  }
0x152: {  	[sflag:s22] =	ssyncset.done $0x0  }
0x153: {  	[sflag:s22] =	ssyncadd.s32 $0xFFFF8000  }
0x154: {  	[tilespmem:s15], [sflag:$0x2] =	stream.indirect.gather [hbm4b:s3+s14], $0x80, s28, s14, $0xb8;
	[tilespmem:$0x19000] =	vst v63  }
0x155: {  	_ = 	snop  }
0x156: {  	[tilespmem:s16], [sflag:$0x2] =	stream.indirect.gather [hbm4b:s3+s14], $0x80, s29, s14, $0xb8;
	[tilespmem:$0x19000] =	vst v63  }
0x157: {  	_ =	swait.ge [sflag:s19], $0x8000  }
0x158: {  	[sflag:s19] =	ssyncset.done $0x0  }
0x159: {  	s23 =	rddreg [dreg:$0x10];
	[sflag:s19] =	ssyncadd.s32 $0xFFFF8000  }
0x15a: {  	[hbm4b:s23+s4] =	stream.linear.scatter [tilespmem:s20], [sflag:$0x3], $0x8000, $0x38;
	[tilespmem:$0x19000] =	vst v63  }
0x15b: {  	_ =	swait.ge [sflag:s22], $0x8000  }
0x15c: {  	[sflag:s22] =	ssyncset.done $0x0  }
0x15d: {  	[sflag:s22] =	ssyncadd.s32 $0xFFFF8000  }
0x15e: {  	[tilespmem:s17], [sflag:$0x2] =	stream.indirect.gather [hbm4b:s3+s14], $0x80, s30, s14, $0xb8;
	[tilespmem:$0x19000] =	vst v63  }
0x15f: {  	_ = 	snop  }
0x160: {  	[tilespmem:s18], [sflag:$0x2] =	stream.indirect.gather [hbm4b:s3+s14], $0x80, s31, s14, $0xb8;
	[tilespmem:$0x19000] =	vst v63  }
0x161: {  	_ =	swait.ge [sflag:s19], $0x8000  }
0x162: {  	[sflag:s19] =	ssyncset.done $0x0  }
0x163: {  	s23 =	rddreg [dreg:$0x11];
	[sflag:s19] =	ssyncadd.s32 $0xFFFF8000  }
0x164: {  	[hbm4b:s23+s4] =	stream.linear.scatter [tilespmem:s15], [sflag:$0x3], $0x8000, $0x38;
	[tilespmem:$0x19000] =	vst v63  }
0x165: {  	_ =	swait.ge [sflag:s19], $0x8000  }
0x166: {  	[sflag:s19] =	ssyncset.done $0x0  }
0x167: {  	s23 =	rddreg [dreg:$0x12];
	[sflag:s19] =	ssyncadd.s32 $0xFFFF8000  }
0x168: {  	[hbm4b:s23+s4] =	stream.linear.scatter [tilespmem:s17], [sflag:$0x3], $0x8000, $0x38;
	[tilespmem:$0x19000] =	vst v63  }
0x169: {  	_ =	swait.ge [sflag:s22], $0x8000  }
0x16a: {  	[sflag:s22] =	ssyncset.done $0x0  }
0x16b: {  	p0 =	sne.s32 s2, $0x1;
	[sflag:s22] =	ssyncadd.s32 $0xFFFF8000  }
.Ltmp1:
0x16c: {  	_ =	swait.ge [sflag:s22], $0x8000;
	(pc) =	sbr.rel @p0 .LBB2_1-.Ltmp1, $4  }
0x16d: {  	[sflag:s22] =	ssyncset.done $0x0  }
0x16e: {  	[sflag:s22] =	ssyncadd.s32 $0xFFFF8000  }
0x16f: {  	_ =	swait.ge [sflag:s22], $0x8000  }
0x170: {  	s2 =	sadd.s32 $0xFFFFFFFF, s2;
	[sflag:s22] =	ssyncset.done $0x0  }
.LBB2_2:
0x171: {  	[sflag:s22] =	ssyncadd.s32 $0xFFFF8000  }
0x172: {  	_ =	sfence.sel $0x180000  }
0x173: {  	[bflag:$0x0] =	sbarrier.arrive $0xFFFF  }
0x174: {  	_ =	strace $0x90000047  }
0x175: {  	s0 =	stileid.u32;
	[bflag:$0x2] =	sbarrier.arrive $0xFFFF  }
0x176: {  	p0 =	sne.s32 s0, $0x0;
	s0 =	rddreg [dreg:$0x4]  }
0x177: {  	s0 =	sadd.s32 @!p0 $0x100000, s0  }
0x178: {  	[sflag:s0] =	ssyncadd.tile.s32 @!p0 $0x1;
	_ =	shalt  }
.Lfunc_end2:
_tile_overlayer_lowered:
.L_overlay_start_2:
0x179: {  	(tag) =	ssettag $0x2  }
0x17a: {  	s0 =	rddreg [dreg:$0x0];
	s2 =	stileid.u32  }
0x17b: {  	s1 =	rddreg [dreg:$0x1];
	p0 =	sne.s32 s2, $0x0  }
0x17c: {  	s3 =	rddreg [dreg:$0x2];
	[bflag:$0x3] =	sbarrier.arrive $0xFFFF;
	s2 =	simm.s32 @!p0 $0x1C04  }
0x17d: {  	[timem:s3], [sflag:s2] =	dma.local @!p0 [hbm:s0], s1  }
0x17e: {  	s0 =	simm.s32 @!p0 $0x4  }
0x17f: {  	_ =	swait.ge @!p0 [sflag:s0], s1  }
0x180: {  	s1 =	ssub.s32 @!p0 $0x0, s1;
	[sflag:s0] =	ssyncset.done @!p0 $0x0  }
0x181: {  	[sflag:s0] =	ssyncadd.s32 @!p0 s1  }
0x182: {  	[bflag:$0x3] =	sbarrier.arrive $0xFFFF  }
0x183: {  	_ =	shalt  }

</sc_bundles>
